<compile_context>
chip_gen: v7x
topology: tpu7x:2x2x1
jax: 0.10.2.dev20260603
libtpu: 0.0.44.dev20260713+nightly
codegen_flags: <defaults>
</compile_context>

<pallas_src>
import functools

import jax
import jax.numpy as jnp
from jax import lax
from jax.experimental import pallas as pl
from jax.experimental.pallas import tpu as pltpu
from jax.experimental.pallas import tpu_sc as plsc

_N = 10000
_NPAD = 10240
_ROWW = 144
_C = 128
_NTILES = 32
_E = 330000
_TCHUNK = 82
_EPAD = _NTILES * _C * _TCHUNK
_R = 512
_SUB = 16
_ZR = 64


def _sc_agg(heads, g, ed, srcp, dstp):
    rows_per_tile = _NPAD // _SUB
    vregs_per_head = 8 // heads

    mesh = plsc.VectorSubcoreMesh(core_axis_name="c", subcore_axis_name="s")

    @functools.partial(
        pl.kernel,
        out_type=jax.ShapeDtypeStruct((2, _NPAD, _ROWW), jnp.float32),
        mesh=mesh,
        compiler_params=pltpu.CompilerParams(use_tc_tiling_on_sc=False),
        scratch_types=[
            pltpu.VMEM((_C,), jnp.int32),
            pltpu.VMEM((_C,), jnp.int32),
            pltpu.VMEM((_C, _ROWW), jnp.float32),
            pltpu.VMEM((_C, 16), jnp.float32),
            pltpu.VMEM((_ZR, _ROWW), jnp.float32),
            pltpu.VMEM_SHARED((_NPAD, _ROWW), jnp.float32),
            pltpu.SemaphoreType.DMA,
            pltpu.SemaphoreType.DMA,
        ],
    )
    def k(g_hbm, ed_hbm, src_hbm, dst_hbm, out_hbm,
          src_v, dst_v, rows_v, edr_v, zb_v, acc_sh, sem1, sem2):
        cid = lax.axis_index("c")
        sid = lax.axis_index("s")
        wid = sid * 2 + cid
        lane = lax.iota(jnp.int32, 16)

        def zrow(r, c):
            for j in range(_ROWW // 16):
                zb_v[r, pl.ds(16 * j, 16)] = jnp.zeros((16,), jnp.float32)
            return c
        lax.fori_loop(0, _ZR, zrow, 0)

        def zcp(t, c):
            pltpu.sync_copy(
                zb_v, acc_sh.at[pl.ds(sid * rows_per_tile + t * _ZR, _ZR)])
            return c
        lax.fori_loop(0, rows_per_tile // _ZR, zcp, 0)

        plsc.subcore_barrier()

        def compute():
            @plsc.parallel_loop(0, _C, unroll=8)
            def edge(i):
                ves = rows_v[i, pl.ds(128, 16)]
                ved = edr_v[i, pl.ds(0, 16)]
                w = ves + ved
                w = jnp.where(w > 0, w, 0.2 * w)
                p = jnp.exp(w)
                p = jnp.where(lane < heads, p, 0.0)
                rows_v[i, pl.ds(128, 16)] = p
                for h in range(heads):
                    scale = lax.gather(
                        p, jnp.full((16, 1), h, jnp.int32),
                        lax.GatherDimensionNumbers(
                            offset_dims=(), collapsed_slice_dims=(0,),
                            start_index_map=(0,)),
                        (1,),
                        mode=lax.GatherScatterMode.PROMISE_IN_BOUNDS)
                    for jj in range(vregs_per_head):
                        j = h * vregs_per_head + jj
                        v = rows_v[i, pl.ds(16 * j, 16)]
                        rows_v[i, pl.ds(16 * j, 16)] = v * scale

        def chunk(t, c):
            base = (wid * _TCHUNK + t) * _C
            pltpu.sync_copy(src_hbm.at[pl.ds(base, _C)], src_v)
            pltpu.sync_copy(dst_hbm.at[pl.ds(base, _C)], dst_v)
            cg = pltpu.async_copy(g_hbm.at[src_v], rows_v, sem1)
            ce = pltpu.async_copy(ed_hbm.at[dst_v], edr_v, sem2)
            cg.wait()
            ce.wait()
            compute()
            pltpu.sync_copy(rows_v, acc_sh.at[dst_v], add=True)
            return c
        lax.fori_loop(0, _TCHUNK, chunk, 0)
        plsc.subcore_barrier()

        def ocp(t, c):
            off = sid * rows_per_tile + t * _ZR
            pltpu.sync_copy(acc_sh.at[pl.ds(off, _ZR)],
                            out_hbm.at[cid, pl.ds(off, _ZR)])
            return c
        lax.fori_loop(0, rows_per_tile // _ZR, ocp, 0)

    return k(g, ed, srcp, dstp)


def _pre_body(x_ref, wcat_ref, a_ref, b_ref, ws_ref, bs_ref,
              g_ref, ed_ref, skip_ref):
    xb = x_ref[...]
    h = jnp.dot(xb, wcat_ref[...], preferred_element_type=jnp.float32)
    es = jnp.dot(h, a_ref[...], preferred_element_type=jnp.float32)
    ed = jnp.dot(h, b_ref[...], preferred_element_type=jnp.float32)
    z12 = jnp.zeros((_R, 12), jnp.float32)
    g_ref[...] = jnp.concatenate([h, es, z12], axis=1)
    ed_ref[...] = jnp.concatenate([ed, z12], axis=1)
    skip_ref[...] = (
        jnp.dot(xb, ws_ref[...], preferred_element_type=jnp.float32)
        + bs_ref[...])


def _mid_body(p_ref, bc_ref, wl_ref, asl_ref, adl_ref, g2_ref, ed2_ref):
    num = p_ref[0, :, :128] + p_ref[1, :, :128]
    den = p_ref[0, :, 128:132] + p_ref[1, :, 128:132]
    denb = jnp.reshape(
        jnp.broadcast_to(den[:, :, None], (_R, 4, 32)), (_R, 128))
    h2 = num / (denb + 1e-16) + bc_ref[...]
    hh = jnp.dot(h2, wl_ref[...], preferred_element_type=jnp.float32)
    es2 = jnp.dot(hh, asl_ref[...], preferred_element_type=jnp.float32)
    ed2 = jnp.dot(hh, adl_ref[...], preferred_element_type=jnp.float32)
    z15 = jnp.zeros((_R, 15), jnp.float32)
    g2_ref[...] = jnp.concatenate([hh, es2, z15], axis=1)
    ed2_ref[...] = jnp.concatenate([ed2, z15], axis=1)


def _fin_body(p_ref, skip_ref, bl_ref, o_ref):
    num = p_ref[0, :, :128] + p_ref[1, :, :128]
    den = p_ref[0, :, 128:129] + p_ref[1, :, 128:129]
    y = num / (den + 1e-16) + bl_ref[...] + skip_ref[...]
    m = jnp.max(y, axis=1, keepdims=True)
    z = y - m
    o_ref[...] = z - jnp.log(jnp.sum(jnp.exp(z), axis=1, keepdims=True))


def _full(shape):
    return pl.BlockSpec(shape, lambda i: tuple(0 for _ in shape))


def kernel(x, edge_index, Wc, asrc, adst, bc, Wl, asl, adl, bl, Ws, bs):
    f32 = jnp.float32
    grid = _NPAD // _R

    x_pad = jnp.zeros((_NPAD, 128), f32).at[:_N].set(x)
    Wcat = Wc.transpose(1, 0, 2).reshape(128, 128)
    eye = jnp.eye(4, dtype=f32)
    A = (asrc[:, :, None] * eye[:, None, :]).reshape(128, 4)
    B = (adst[:, :, None] * eye[:, None, :]).reshape(128, 4)

    loop = jnp.arange(_N, dtype=jnp.int32)
    pad = _N + jnp.arange(_EPAD - _E, dtype=jnp.int32) % (_NPAD - _N)
    srcp = jnp.concatenate([edge_index[0], loop, pad])
    dstp = jnp.concatenate([edge_index[1], loop, pad])

    g1, ed1, xskip = pl.pallas_call(
        _pre_body,
        grid=(grid,),
        in_specs=[
            pl.BlockSpec((_R, 128), lambda i: (i, 0)),
            _full((128, 128)), _full((128, 4)), _full((128, 4)),
            _full((128, 128)), _full((1, 128)),
        ],
        out_specs=[
            pl.BlockSpec((_R, _ROWW), lambda i: (i, 0)),
            pl.BlockSpec((_R, 16), lambda i: (i, 0)),
            pl.BlockSpec((_R, 128), lambda i: (i, 0)),
        ],
        out_shape=[
            jax.ShapeDtypeStruct((_NPAD, _ROWW), f32),
            jax.ShapeDtypeStruct((_NPAD, 16), f32),
            jax.ShapeDtypeStruct((_NPAD, 128), f32),
        ],
    )(x_pad, Wcat, A, B, Ws, bs[None, :])

    parts1 = _sc_agg(4, g1, ed1, srcp, dstp)

    g2, ed2 = pl.pallas_call(
        _mid_body,
        grid=(grid,),
        in_specs=[
            pl.BlockSpec((2, _R, _ROWW), lambda i: (0, i, 0)),
            _full((1, 128)), _full((128, 128)),
            _full((128, 1)), _full((128, 1)),
        ],
        out_specs=[
            pl.BlockSpec((_R, _ROWW), lambda i: (i, 0)),
            pl.BlockSpec((_R, 16), lambda i: (i, 0)),
        ],
        out_shape=[
            jax.ShapeDtypeStruct((_NPAD, _ROWW), f32),
            jax.ShapeDtypeStruct((_NPAD, 16), f32),
        ],
    )(parts1, bc.reshape(1, 128), Wl, asl[:, None], adl[:, None])

    parts2 = _sc_agg(1, g2, ed2, srcp, dstp)

    out = pl.pallas_call(
        _fin_body,
        grid=(grid,),
        in_specs=[
            pl.BlockSpec((2, _R, _ROWW), lambda i: (0, i, 0)),
            pl.BlockSpec((_R, 128), lambda i: (i, 0)),
            _full((1, 128)),
        ],
        out_specs=pl.BlockSpec((_R, 128), lambda i: (i, 0)),
        out_shape=jax.ShapeDtypeStruct((_NPAD, 128), f32),
    )(parts2, xskip, bl[None, :])

    return out[:_N]

# --- scband reference (transcript-rebuilt; emitter-appended) ---
"""Pipeline reference for scband-gat-14559939133705 (READ-ONLY COPY).

The authoritative reference and input builder live on the scoring server;
editing this copy changes nothing except your own understanding.
"""

import jax, jax.numpy as jnp
import numpy as np

N = 10000
E = 320000
D_IN = 128
HEADS = 4
D_HEAD = 32  # hidden_channels // num_heads = 128 // 4
D_OUT = 128


def setup_inputs(seed: int = 0) -> dict:
    key = jax.random.key(seed)
    ks = jax.random.split(key, 14)
    x = jax.random.normal(ks[0], (N, D_IN), dtype=jnp.float32)
    edge_index = jax.random.randint(ks[1], (2, E), 0, N, dtype=jnp.int32)
    # per-head GATConv params (heads stacked on leading axis)
    Wc = jax.random.normal(ks[2], (HEADS, D_IN, D_HEAD), dtype=jnp.float32) * 0.1
    asrc = jax.random.normal(ks[3], (HEADS, D_HEAD), dtype=jnp.float32) * 0.1
    adst = jax.random.normal(ks[4], (HEADS, D_HEAD), dtype=jnp.float32) * 0.1
    bc = jax.random.normal(ks[5], (HEADS, D_HEAD), dtype=jnp.float32) * 0.1
    # last GATConv: in = HEADS*D_HEAD = 128, out = D_OUT
    Wl = jax.random.normal(ks[6], (HEADS * D_HEAD, D_OUT), dtype=jnp.float32) * 0.1
    asl = jax.random.normal(ks[7], (D_OUT,), dtype=jnp.float32) * 0.1
    adl = jax.random.normal(ks[8], (D_OUT,), dtype=jnp.float32) * 0.1
    bl = jax.random.normal(ks[9], (D_OUT,), dtype=jnp.float32) * 0.1
    # skip Linear(in=D_IN, out=D_OUT)
    Ws = jax.random.normal(ks[10], (D_IN, D_OUT), dtype=jnp.float32) * 0.1
    bs = jax.random.normal(ks[11], (D_OUT,), dtype=jnp.float32) * 0.1
    return {"x": x, "edge_index": edge_index, "Wc": Wc, "asrc": asrc, "adst": adst,
            "bc": bc, "Wl": Wl, "asl": asl, "adl": adl, "bl": bl, "Ws": Ws, "bs": bs}


def _gat_conv(x, src, dst, W, a_src, a_dst, b):
    # PyG-style GATConv (heads=1), dropout inactive in eval.
    n = x.shape[0]
    h = x @ W                                   # [N, out]
    e_src = jnp.sum(h * a_src, axis=-1)         # [N]
    e_dst = jnp.sum(h * a_dst, axis=-1)         # [N]
    e = e_src[src] + e_dst[dst]                 # [E'] gather
    e = jnp.where(e > 0, e, 0.2 * e)            # leaky_relu(0.2)
    # segment softmax over destination nodes (self-loops guarantee non-empty segments)
    emax = jax.ops.segment_max(e, dst, num_segments=n)
    emax = jax.lax.stop_gradient(emax)
    p = jnp.exp(e - emax[dst])
    s = jax.ops.segment_sum(p, dst, num_segments=n)
    alpha = p / (s[dst] + 1e-16)
    out = jax.ops.segment_sum(h[src] * alpha[:, None], dst, num_segments=n)
    return out + b


def reference(x, edge_index, Wc, asrc, adst, bc, Wl, asl, adl, bl, Ws, bs):
    n = x.shape[0]
    loop = jnp.arange(n, dtype=edge_index.dtype)
    src = jnp.concatenate([edge_index[0], loop])  # add self-loops (PyG default)
    dst = jnp.concatenate([edge_index[1], loop])
    x_skip = x @ Ws + bs
    outs = [_gat_conv(x, src, dst, Wc[i], asrc[i], adst[i], bc[i]) for i in range(HEADS)]
    h = jnp.concatenate(outs, axis=-1)            # [N, HEADS*D_HEAD]
    h = _gat_conv(h, src, dst, Wl, asl, adl, bl)  # [N, D_OUT]
    h = h + x_skip
    return jax.nn.log_softmax(h, axis=1)

if __name__ == "__main__":
    import jax
    _d = setup_inputs()
    print(jax.jit(kernel)(*tuple(_d.values())))

</pallas_src>

<mosaic_0001>
#map = affine_map<(d0, d1) -> (0, 0)>
#map1 = affine_map<(d0, d1) -> (0)>
#map2 = affine_map<(d0, d1) -> (0, 0, 0)>
module attributes {stable_mosaic.version = 14 : i64} {
  func.func @k(%arg0: i32, %arg1: i32, %arg2: memref<10240x144xf32, #tpu.memory_space<hbm>>, %arg3: memref<10240x16xf32, #tpu.memory_space<hbm>>, %arg4: memref<335872xi32, #tpu.memory_space<hbm>>, %arg5: memref<335872xi32, #tpu.memory_space<hbm>>, %arg6: memref<2x10240x144xf32, #tpu.memory_space<hbm>>, %arg7: memref<128xi32, #tpu.memory_space<vmem>>, %arg8: memref<128xi32, #tpu.memory_space<vmem>>, %arg9: memref<128x144xf32, #tpu.memory_space<vmem>>, %arg10: memref<128x16xf32, #tpu.memory_space<vmem>>, %arg11: memref<64x144xf32, #tpu.memory_space<vmem>>, %arg12: memref<10240x144xf32, #tpu.memory_space<vmem_shared>>, %arg13: memref<!tpu.dma_semaphore, #tpu.memory_space<semaphore_mem>>, %arg14: memref<!tpu.dma_semaphore, #tpu.memory_space<semaphore_mem>>) attributes {dimension_semantics = [#tpu.dimension_semantics<core_parallel>, #tpu.dimension_semantics<subcore_parallel>], iteration_bounds = array<i64: 2, 16>, scalar_prefetch = 0 : i64, scratch_operands = 8 : i64, tpu.core_type = #tpu.core_type<sc_vector_subcore>, window_params = [{transform_indices = #map}, {transform_indices = #map}, {transform_indices = #map1}, {transform_indices = #map1}, {transform_indices = #map2}]} {
    %mul3A = arith.constant 2 : i32
    %mul3A_0 = arith.muli %arg1, %mul3A : i32
    %add3A = arith.addi %mul3A_0, %arg0 : i32
    %iota3A = tpu.iota {dimensions = array<i32: 0>} : vector<16xi32>
    %scan3A = arith.constant 0 : i32
    %scan3A_1 = arith.constant 0 : i32
    %scan3A_2 = arith.constant 64 : i32
    %scan3A_3 = arith.addi %scan3A_1, %scan3A_2 : i32
    %scan3A_4 = arith.constant 1 : i32
    scf.for %scan3A_25 = %scan3A_1 to %scan3A_3 step %scan3A_4  : i32 {
      %broadcast_in_dim3A = arith.constant 0.000000e+00 : f32
      %broadcast_in_dim3A_26 = vector.broadcast %broadcast_in_dim3A : f32 to vector<16xf32>
      %swap3A = arith.index_cast %scan3A_25 : i32 to index
      %swap3A_27 = arith.constant 0 : index
      %swap3A_28 = tpu.vector_load %arg11[%swap3A, %swap3A_27] {strides = array<i32>} : memref<64x144xf32, #tpu.memory_space<vmem>>, vector<1x16xf32>,
      %swap3A_29 = vector.shape_cast %swap3A_28 : vector<1x16xf32> to vector<16xf32>
      %swap3A_30 = vector.shape_cast %broadcast_in_dim3A_26 : vector<16xf32> to vector<1x16xf32>
      tpu.vector_store %arg11[%swap3A, %swap3A_27], %swap3A_30 {strides = array<i32>} : memref<64x144xf32, #tpu.memory_space<vmem>>, vector<1x16xf32>,
      %broadcast_in_dim3A_31 = arith.constant 0.000000e+00 : f32
      %broadcast_in_dim3A_32 = vector.broadcast %broadcast_in_dim3A_31 : f32 to vector<16xf32>
      %swap3A_33 = arith.index_cast %scan3A_25 : i32 to index
      %swap3A_34 = arith.constant 16 : index
      %swap3A_35 = tpu.vector_load %arg11[%swap3A_33, %swap3A_34] {strides = array<i32>} : memref<64x144xf32, #tpu.memory_space<vmem>>, vector<1x16xf32>,
      %swap3A_36 = vector.shape_cast %swap3A_35 : vector<1x16xf32> to vector<16xf32>
      %swap3A_37 = vector.shape_cast %broadcast_in_dim3A_32 : vector<16xf32> to vector<1x16xf32>
      tpu.vector_store %arg11[%swap3A_33, %swap3A_34], %swap3A_37 {strides = array<i32>} : memref<64x144xf32, #tpu.memory_space<vmem>>, vector<1x16xf32>,
      %broadcast_in_dim3A_38 = arith.constant 0.000000e+00 : f32
      %broadcast_in_dim3A_39 = vector.broadcast %broadcast_in_dim3A_38 : f32 to vector<16xf32>
      %swap3A_40 = arith.index_cast %scan3A_25 : i32 to index
      %swap3A_41 = arith.constant 32 : index
      %swap3A_42 = tpu.vector_load %arg11[%swap3A_40, %swap3A_41] {strides = array<i32>} : memref<64x144xf32, #tpu.memory_space<vmem>>, vector<1x16xf32>,
      %swap3A_43 = vector.shape_cast %swap3A_42 : vector<1x16xf32> to vector<16xf32>
      %swap3A_44 = vector.shape_cast %broadcast_in_dim3A_39 : vector<16xf32> to vector<1x16xf32>
      tpu.vector_store %arg11[%swap3A_40, %swap3A_41], %swap3A_44 {strides = array<i32>} : memref<64x144xf32, #tpu.memory_space<vmem>>, vector<1x16xf32>,
      %broadcast_in_dim3A_45 = arith.constant 0.000000e+00 : f32
      %broadcast_in_dim3A_46 = vector.broadcast %broadcast_in_dim3A_45 : f32 to vector<16xf32>
      %swap3A_47 = arith.index_cast %scan3A_25 : i32 to index
      %swap3A_48 = arith.constant 48 : index
      %swap3A_49 = tpu.vector_load %arg11[%swap3A_47, %swap3A_48] {strides = array<i32>} : memref<64x144xf32, #tpu.memory_space<vmem>>, vector<1x16xf32>,
      %swap3A_50 = vector.shape_cast %swap3A_49 : vector<1x16xf32> to vector<16xf32>
      %swap3A_51 = vector.shape_cast %broadcast_in_dim3A_46 : vector<16xf32> to vector<1x16xf32>
      tpu.vector_store %arg11[%swap3A_47, %swap3A_48], %swap3A_51 {strides = array<i32>} : memref<64x144xf32, #tpu.memory_space<vmem>>, vector<1x16xf32>,
      %broadcast_in_dim3A_52 = arith.constant 0.000000e+00 : f32
      %broadcast_in_dim3A_53 = vector.broadcast %broadcast_in_dim3A_52 : f32 to vector<16xf32>
      %swap3A_54 = arith.index_cast %scan3A_25 : i32 to index
      %swap3A_55 = arith.constant 64 : index
      %swap3A_56 = tpu.vector_load %arg11[%swap3A_54, %swap3A_55] {strides = array<i32>} : memref<64x144xf32, #tpu.memory_space<vmem>>, vector<1x16xf32>,
      %swap3A_57 = vector.shape_cast %swap3A_56 : vector<1x16xf32> to vector<16xf32>
      %swap3A_58 = vector.shape_cast %broadcast_in_dim3A_53 : vector<16xf32> to vector<1x16xf32>
      tpu.vector_store %arg11[%swap3A_54, %swap3A_55], %swap3A_58 {strides = array<i32>} : memref<64x144xf32, #tpu.memory_space<vmem>>, vector<1x16xf32>,
      %broadcast_in_dim3A_59 = arith.constant 0.000000e+00 : f32
      %broadcast_in_dim3A_60 = vector.broadcast %broadcast_in_dim3A_59 : f32 to vector<16xf32>
      %swap3A_61 = arith.index_cast %scan3A_25 : i32 to index
      %swap3A_62 = arith.constant 80 : index
      %swap3A_63 = tpu.vector_load %arg11[%swap3A_61, %swap3A_62] {strides = array<i32>} : memref<64x144xf32, #tpu.memory_space<vmem>>, vector<1x16xf32>,
      %swap3A_64 = vector.shape_cast %swap3A_63 : vector<1x16xf32> to vector<16xf32>
      %swap3A_65 = vector.shape_cast %broadcast_in_dim3A_60 : vector<16xf32> to vector<1x16xf32>
      tpu.vector_store %arg11[%swap3A_61, %swap3A_62], %swap3A_65 {strides = array<i32>} : memref<64x144xf32, #tpu.memory_space<vmem>>, vector<1x16xf32>,
      %broadcast_in_dim3A_66 = arith.constant 0.000000e+00 : f32
      %broadcast_in_dim3A_67 = vector.broadcast %broadcast_in_dim3A_66 : f32 to vector<16xf32>
      %swap3A_68 = arith.index_cast %scan3A_25 : i32 to index
      %swap3A_69 = arith.constant 96 : index
      %swap3A_70 = tpu.vector_load %arg11[%swap3A_68, %swap3A_69] {strides = array<i32>} : memref<64x144xf32, #tpu.memory_space<vmem>>, vector<1x16xf32>,
      %swap3A_71 = vector.shape_cast %swap3A_70 : vector<1x16xf32> to vector<16xf32>
      %swap3A_72 = vector.shape_cast %broadcast_in_dim3A_67 : vector<16xf32> to vector<1x16xf32>
      tpu.vector_store %arg11[%swap3A_68, %swap3A_69], %swap3A_72 {strides = array<i32>} : memref<64x144xf32, #tpu.memory_space<vmem>>, vector<1x16xf32>,
      %broadcast_in_dim3A_73 = arith.constant 0.000000e+00 : f32
      %broadcast_in_dim3A_74 = vector.broadcast %broadcast_in_dim3A_73 : f32 to vector<16xf32>
      %swap3A_75 = arith.index_cast %scan3A_25 : i32 to index
      %swap3A_76 = arith.constant 112 : index
      %swap3A_77 = tpu.vector_load %arg11[%swap3A_75, %swap3A_76] {strides = array<i32>} : memref<64x144xf32, #tpu.memory_space<vmem>>, vector<1x16xf32>,
      %swap3A_78 = vector.shape_cast %swap3A_77 : vector<1x16xf32> to vector<16xf32>
      %swap3A_79 = vector.shape_cast %broadcast_in_dim3A_74 : vector<16xf32> to vector<1x16xf32>
      tpu.vector_store %arg11[%swap3A_75, %swap3A_76], %swap3A_79 {strides = array<i32>} : memref<64x144xf32, #tpu.memory_space<vmem>>, vector<1x16xf32>,
      %broadcast_in_dim3A_80 = arith.constant 0.000000e+00 : f32
      %broadcast_in_dim3A_81 = vector.broadcast %broadcast_in_dim3A_80 : f32 to vector<16xf32>
      %swap3A_82 = arith.index_cast %scan3A_25 : i32 to index
      %swap3A_83 = arith.constant 128 : index
      %swap3A_84 = tpu.vector_load %arg11[%swap3A_82, %swap3A_83] {strides = array<i32>} : memref<64x144xf32, #tpu.memory_space<vmem>>, vector<1x16xf32>,
      %swap3A_85 = vector.shape_cast %swap3A_84 : vector<1x16xf32> to vector<16xf32>
      %swap3A_86 = vector.shape_cast %broadcast_in_dim3A_81 : vector<16xf32> to vector<1x16xf32>
      tpu.vector_store %arg11[%swap3A_82, %swap3A_83], %swap3A_86 {strides = array<i32>} : memref<64x144xf32, #tpu.memory_space<vmem>>, vector<1x16xf32>,
    }
    %scan3A_5 = arith.constant 64 : i32
    %scan3A_6 = arith.constant 0 : i32
    %scan3A_7 = arith.constant 0 : i32
    %scan3A_8 = arith.constant 10 : i32
    %scan3A_9 = arith.addi %scan3A_7, %scan3A_8 : i32
    %scan3A_10 = arith.constant 1 : i32
    scf.for %scan3A_25 = %scan3A_7 to %scan3A_9 step %scan3A_10  : i32 {
      %mul3A_26 = arith.constant 640 : i32
      %mul3A_27 = arith.muli %arg1, %mul3A_26 : i32
      %mul3A_28 = arith.constant 64 : i32
      %mul3A_29 = arith.muli %scan3A_25, %mul3A_28 : i32
      %add3A_30 = arith.addi %mul3A_27, %mul3A_29 : i32
      "tpu.region"() ({
        %run_scoped3A = tpu.sem_alloc : memref<!tpu.dma_semaphore, #tpu.memory_space<semaphore_mem>>
        %dma_start3A = arith.constant 0 : i32
        %dma_start3A_31 = tpu.memref_slice %arg12[%add3A_30, %dma_start3A] : memref<10240x144xf32, #tpu.memory_space<vmem_shared>> -> memref<64x144xf32, #tpu.memory_space<vmem_shared>>
        %dma_start3A_32 = arith.constant 0 : i32
        %dma_start3A_33 = tpu.memref_slice %arg12[%add3A_30, %dma_start3A_32] : memref<10240x144xf32, #tpu.memory_space<vmem_shared>> -> memref<64x144xf32, #tpu.memory_space<vmem_shared>>
        tpu.enqueue_dma source(%arg11 : memref<64x144xf32, #tpu.memory_space<vmem>>) target(%dma_start3A_33 : memref<64x144xf32, #tpu.memory_space<vmem_shared>>) target_semaphore(%run_scoped3A : memref<!tpu.dma_semaphore, #tpu.memory_space<semaphore_mem>>)
        %dma_wait3A = arith.constant 0 : i32
        %dma_wait3A_34 = tpu.memref_slice %arg12[%add3A_30, %dma_wait3A] : memref<10240x144xf32, #tpu.memory_space<vmem_shared>> -> memref<64x144xf32, #tpu.memory_space<vmem_shared>>
        %dma_wait3A_35 = arith.constant 0 : i32
        %dma_wait3A_36 = tpu.memref_slice %arg12[%add3A_30, %dma_wait3A_35] : memref<10240x144xf32, #tpu.memory_space<vmem_shared>> -> memref<64x144xf32, #tpu.memory_space<vmem_shared>>
        tpu.wait_dma2 semaphore(%run_scoped3A : memref<!tpu.dma_semaphore, #tpu.memory_space<semaphore_mem>>) src(%arg11 : memref<64x144xf32, #tpu.memory_space<vmem>>) dst(%dma_wait3A_36 : memref<64x144xf32, #tpu.memory_space<vmem_shared>>)
        tpu.yield
      }) : () -> ()
    }
    %scan3A_11 = arith.constant 10 : i32
    %barrier3A = arith.constant 0 : index
    tpu.barrier barrier_id(%barrier3A)
    %scan3A_12 = arith.constant 0 : i32
    %scan3A_13 = arith.constant 0 : i32
    %scan3A_14 = arith.constant 82 : i32
    %scan3A_15 = arith.addi %scan3A_13, %scan3A_14 : i32
    %scan3A_16 = arith.constant 1 : i32
    scf.for %scan3A_25 = %scan3A_13 to %scan3A_15 step %scan3A_16  : i32 {
      %mul3A_26 = arith.constant 82 : i32
      %mul3A_27 = arith.muli %add3A, %mul3A_26 : i32
      %add3A_28 = arith.addi %mul3A_27, %scan3A_25 : i32
      %mul3A_29 = arith.constant 128 : i32
      %mul3A_30 = arith.muli %add3A_28, %mul3A_29 : i32
      "tpu.region"() ({
        %run_scoped3A = tpu.sem_alloc : memref<!tpu.dma_semaphore, #tpu.memory_space<semaphore_mem>>
        %dma_start3A_43 = tpu.memref_slice %arg4[%mul3A_30] : memref<335872xi32, #tpu.memory_space<hbm>> -> memref<128xi32, #tpu.memory_space<hbm>>
        %dma_start3A_44 = tpu.memref_slice %arg4[%mul3A_30] : memref<335872xi32, #tpu.memory_space<hbm>> -> memref<128xi32, #tpu.memory_space<hbm>>
        tpu.enqueue_dma source(%dma_start3A_44 : memref<128xi32, #tpu.memory_space<hbm>>) target(%arg7 : memref<128xi32, #tpu.memory_space<vmem>>) target_semaphore(%run_scoped3A : memref<!tpu.dma_semaphore, #tpu.memory_space<semaphore_mem>>)
        %dma_wait3A_45 = tpu.memref_slice %arg4[%mul3A_30] : memref<335872xi32, #tpu.memory_space<hbm>> -> memref<128xi32, #tpu.memory_space<hbm>>
        %dma_wait3A_46 = tpu.memref_slice %arg4[%mul3A_30] : memref<335872xi32, #tpu.memory_space<hbm>> -> memref<128xi32, #tpu.memory_space<hbm>>
        tpu.wait_dma2 semaphore(%run_scoped3A : memref<!tpu.dma_semaphore, #tpu.memory_space<semaphore_mem>>) src(%dma_wait3A_46 : memref<128xi32, #tpu.memory_space<hbm>>) dst(%arg7 : memref<128xi32, #tpu.memory_space<vmem>>)
        tpu.yield
      }) : () -> ()
      "tpu.region"() ({
        %run_scoped3A = tpu.sem_alloc : memref<!tpu.dma_semaphore, #tpu.memory_space<semaphore_mem>>
        %dma_start3A_43 = tpu.memref_slice %arg5[%mul3A_30] : memref<335872xi32, #tpu.memory_space<hbm>> -> memref<128xi32, #tpu.memory_space<hbm>>
        %dma_start3A_44 = tpu.memref_slice %arg5[%mul3A_30] : memref<335872xi32, #tpu.memory_space<hbm>> -> memref<128xi32, #tpu.memory_space<hbm>>
        tpu.enqueue_dma source(%dma_start3A_44 : memref<128xi32, #tpu.memory_space<hbm>>) target(%arg8 : memref<128xi32, #tpu.memory_space<vmem>>) target_semaphore(%run_scoped3A : memref<!tpu.dma_semaphore, #tpu.memory_space<semaphore_mem>>)
        %dma_wait3A_45 = tpu.memref_slice %arg5[%mul3A_30] : memref<335872xi32, #tpu.memory_space<hbm>> -> memref<128xi32, #tpu.memory_space<hbm>>
        %dma_wait3A_46 = tpu.memref_slice %arg5[%mul3A_30] : memref<335872xi32, #tpu.memory_space<hbm>> -> memref<128xi32, #tpu.memory_space<hbm>>
        tpu.wait_dma2 semaphore(%run_scoped3A : memref<!tpu.dma_semaphore, #tpu.memory_space<semaphore_mem>>) src(%dma_wait3A_46 : memref<128xi32, #tpu.memory_space<hbm>>) dst(%arg8 : memref<128xi32, #tpu.memory_space<vmem>>)
        tpu.yield
      }) : () -> ()
      %dma_start3A = arith.constant 0 : i32
      %dma_start3A_31 = arith.constant 0 : i32
      %dma_start3A_32 = tpu.memref_slice %arg2[%dma_start3A, %dma_start3A_31] : memref<10240x144xf32, #tpu.memory_space<hbm>> -> memref<10240x144xf32, #tpu.memory_space<hbm>>
      tpu.enqueue_indirect_dma source(%dma_start3A_32 : memref<10240x144xf32, #tpu.memory_space<hbm>>) target(%arg9 : memref<128x144xf32, #tpu.memory_space<vmem>>) offsets(%arg7 : memref<128xi32, #tpu.memory_space<vmem>>) semaphore(%arg13 : memref<!tpu.dma_semaphore, #tpu.memory_space<semaphore_mem>>)
      %dma_start3A_33 = arith.constant 0 : i32
      %dma_start3A_34 = arith.constant 0 : i32
      %dma_start3A_35 = tpu.memref_slice %arg3[%dma_start3A_33, %dma_start3A_34] : memref<10240x16xf32, #tpu.memory_space<hbm>> -> memref<10240x16xf32, #tpu.memory_space<hbm>>
      tpu.enqueue_indirect_dma source(%dma_start3A_35 : memref<10240x16xf32, #tpu.memory_space<hbm>>) target(%arg10 : memref<128x16xf32, #tpu.memory_space<vmem>>) offsets(%arg8 : memref<128xi32, #tpu.memory_space<vmem>>) semaphore(%arg14 : memref<!tpu.dma_semaphore, #tpu.memory_space<semaphore_mem>>)
      %dma_wait3A = arith.constant 0 : i32
      %dma_wait3A_36 = arith.constant 0 : i32
      %dma_wait3A_37 = tpu.memref_slice %arg2[%dma_wait3A, %dma_wait3A_36] : memref<10240x144xf32, #tpu.memory_space<hbm>> -> memref<10240x144xf32, #tpu.memory_space<hbm>>
      tpu.wait_indirect_dma semaphore(%arg13 : memref<!tpu.dma_semaphore, #tpu.memory_space<semaphore_mem>>) src(%dma_wait3A_37 : memref<10240x144xf32, #tpu.memory_space<hbm>>) dst(%arg9 : memref<128x144xf32, #tpu.memory_space<vmem>>)
      %dma_wait3A_38 = arith.constant 0 : i32
      %dma_wait3A_39 = arith.constant 0 : i32
      %dma_wait3A_40 = tpu.memref_slice %arg3[%dma_wait3A_38, %dma_wait3A_39] : memref<10240x16xf32, #tpu.memory_space<hbm>> -> memref<10240x16xf32, #tpu.memory_space<hbm>>
      tpu.wait_indirect_dma semaphore(%arg14 : memref<!tpu.dma_semaphore, #tpu.memory_space<semaphore_mem>>) src(%dma_wait3A_40 : memref<10240x16xf32, #tpu.memory_space<hbm>>) dst(%arg10 : memref<128x16xf32, #tpu.memory_space<vmem>>)
      %parallel_loop3A = arith.constant 0 : i32
      %parallel_loop3A_41 = arith.constant 128 : i32
      %parallel_loop3A_42 = arith.constant 1 : i32
      scf.for %parallel_loop3A_43 = %parallel_loop3A to %parallel_loop3A_41 step %parallel_loop3A_42  : i32 {
        %parallel_loop3A_44 = arith.index_cast %parallel_loop3A_43 : i32 to index
        %parallel_loop3A_45 = arith.constant 128 : index
        %parallel_loop3A_46 = tpu.vector_load %arg9[%parallel_loop3A_44, %parallel_loop3A_45] {strides = array<i32>} : memref<128x144xf32, #tpu.memory_space<vmem>>, vector<1x16xf32>,
        %parallel_loop3A_47 = vector.shape_cast %parallel_loop3A_46 : vector<1x16xf32> to vector<16xf32>
        %parallel_loop3A_48 = arith.index_cast %parallel_loop3A_43 : i32 to index
        %parallel_loop3A_49 = arith.constant 0 : index
        %parallel_loop3A_50 = tpu.vector_load %arg10[%parallel_loop3A_48, %parallel_loop3A_49] {strides = array<i32>} : memref<128x16xf32, #tpu.memory_space<vmem>>, vector<1x16xf32>,
        %parallel_loop3A_51 = vector.shape_cast %parallel_loop3A_50 : vector<1x16xf32> to vector<16xf32>
        %parallel_loop3A_52 = arith.addf %parallel_loop3A_47, %parallel_loop3A_51 : vector<16xf32>
        %parallel_loop3A_53 = arith.constant 0.000000e+00 : f32
        %parallel_loop3A_54 = vector.broadcast %parallel_loop3A_53 : f32 to vector<16xf32>
        %parallel_loop3A_55 = arith.cmpf ogt, %parallel_loop3A_52, %parallel_loop3A_54 : vector<16xf32>
        %parallel_loop3A_56 = arith.constant 2.000000e-01 : f32
        %parallel_loop3A_57 = vector.broadcast %parallel_loop3A_56 : f32 to vector<16xf32>
        %parallel_loop3A_58 = arith.mulf %parallel_loop3A_57, %parallel_loop3A_52 : vector<16xf32>
        %parallel_loop3A_59 = arith.select %parallel_loop3A_55, %parallel_loop3A_52, %parallel_loop3A_58 : vector<16xi1>, vector<16xf32>
        %parallel_loop3A_60 = math.exp %parallel_loop3A_59 : vector<16xf32>
        %parallel_loop3A_61 = arith.constant 4 : i32
        %parallel_loop3A_62 = vector.broadcast %parallel_loop3A_61 : i32 to vector<16xi32>
        %parallel_loop3A_63 = arith.cmpi slt, %iota3A, %parallel_loop3A_62 : vector<16xi32>
        %parallel_loop3A_64 = arith.constant 0.000000e+00 : f32
        %parallel_loop3A_65 = vector.broadcast %parallel_loop3A_64 : f32 to vector<16xf32>
        %parallel_loop3A_66 = arith.select %parallel_loop3A_63, %parallel_loop3A_60, %parallel_loop3A_65 : vector<16xi1>, vector<16xf32>
        %parallel_loop3A_67 = arith.index_cast %parallel_loop3A_43 : i32 to index
        %parallel_loop3A_68 = arith.constant 128 : index
        %parallel_loop3A_69 = tpu.vector_load %arg9[%parallel_loop3A_67, %parallel_loop3A_68] {strides = array<i32>} : memref<128x144xf32, #tpu.memory_space<vmem>>, vector<1x16xf32>,
        %parallel_loop3A_70 = vector.shape_cast %parallel_loop3A_69 : vector<1x16xf32> to vector<16xf32>
        %parallel_loop3A_71 = vector.shape_cast %parallel_loop3A_66 : vector<16xf32> to vector<1x16xf32>
        tpu.vector_store %arg9[%parallel_loop3A_67, %parallel_loop3A_68], %parallel_loop3A_71 {strides = array<i32>} : memref<128x144xf32, #tpu.memory_space<vmem>>, vector<1x16xf32>,
        %parallel_loop3A_72 = arith.constant 0 : i32
        %parallel_loop3A_73 = vector.broadcast %parallel_loop3A_72 : i32 to vector<16x1xi32>
        %parallel_loop3A_74 = vector.shape_cast %parallel_loop3A_73 : vector<16x1xi32> to vector<16xi32>
        %parallel_loop3A_75 = tpu.dynamic_gather %parallel_loop3A_66[%parallel_loop3A_74] in [0] : vector<16xf32>, vector<16xi32> -> vector<16xf32>
        %parallel_loop3A_76 = arith.index_cast %parallel_loop3A_43 : i32 to index
        %parallel_loop3A_77 = arith.constant 0 : index
        %parallel_loop3A_78 = tpu.vector_load %arg9[%parallel_loop3A_76, %parallel_loop3A_77] {strides = array<i32>} : memref<128x144xf32, #tpu.memory_space<vmem>>, vector<1x16xf32>,
        %parallel_loop3A_79 = vector.shape_cast %parallel_loop3A_78 : vector<1x16xf32> to vector<16xf32>
        %parallel_loop3A_80 = arith.mulf %parallel_loop3A_79, %parallel_loop3A_75 : vector<16xf32>
        %parallel_loop3A_81 = arith.index_cast %parallel_loop3A_43 : i32 to index
        %parallel_loop3A_82 = arith.constant 0 : index
        %parallel_loop3A_83 = tpu.vector_load %arg9[%parallel_loop3A_81, %parallel_loop3A_82] {strides = array<i32>} : memref<128x144xf32, #tpu.memory_space<vmem>>, vector<1x16xf32>,
        %parallel_loop3A_84 = vector.shape_cast %parallel_loop3A_83 : vector<1x16xf32> to vector<16xf32>
        %parallel_loop3A_85 = vector.shape_cast %parallel_loop3A_80 : vector<16xf32> to vector<1x16xf32>
        tpu.vector_store %arg9[%parallel_loop3A_81, %parallel_loop3A_82], %parallel_loop3A_85 {strides = array<i32>} : memref<128x144xf32, #tpu.memory_space<vmem>>, vector<1x16xf32>,
        %parallel_loop3A_86 = arith.index_cast %parallel_loop3A_43 : i32 to index
        %parallel_loop3A_87 = arith.constant 16 : index
        %parallel_loop3A_88 = tpu.vector_load %arg9[%parallel_loop3A_86, %parallel_loop3A_87] {strides = array<i32>} : memref<128x144xf32, #tpu.memory_space<vmem>>, vector<1x16xf32>,
        %parallel_loop3A_89 = vector.shape_cast %parallel_loop3A_88 : vector<1x16xf32> to vector<16xf32>
        %parallel_loop3A_90 = arith.mulf %parallel_loop3A_89, %parallel_loop3A_75 : vector<16xf32>
        %parallel_loop3A_91 = arith.index_cast %parallel_loop3A_43 : i32 to index
        %parallel_loop3A_92 = arith.constant 16 : index
        %parallel_loop3A_93 = tpu.vector_load %arg9[%parallel_loop3A_91, %parallel_loop3A_92] {strides = array<i32>} : memref<128x144xf32, #tpu.memory_space<vmem>>, vector<1x16xf32>,
        %parallel_loop3A_94 = vector.shape_cast %parallel_loop3A_93 : vector<1x16xf32> to vector<16xf32>
        %parallel_loop3A_95 = vector.shape_cast %parallel_loop3A_90 : vector<16xf32> to vector<1x16xf32>
        tpu.vector_store %arg9[%parallel_loop3A_91, %parallel_loop3A_92], %parallel_loop3A_95 {strides = array<i32>} : memref<128x144xf32, #tpu.memory_space<vmem>>, vector<1x16xf32>,
        %parallel_loop3A_96 = arith.constant 1 : i32
        %parallel_loop3A_97 = vector.broadcast %parallel_loop3A_96 : i32 to vector<16x1xi32>
        %parallel_loop3A_98 = vector.shape_cast %parallel_loop3A_97 : vector<16x1xi32> to vector<16xi32>
        %parallel_loop3A_99 = tpu.dynamic_gather %parallel_loop3A_66[%parallel_loop3A_98] in [0] : vector<16xf32>, vector<16xi32> -> vector<16xf32>
        %parallel_loop3A_100 = arith.index_cast %parallel_loop3A_43 : i32 to index
        %parallel_loop3A_101 = arith.constant 32 : index
        %parallel_loop3A_102 = tpu.vector_load %arg9[%parallel_loop3A_100, %parallel_loop3A_101] {strides = array<i32>} : memref<128x144xf32, #tpu.memory_space<vmem>>, vector<1x16xf32>,
        %parallel_loop3A_103 = vector.shape_cast %parallel_loop3A_102 : vector<1x16xf32> to vector<16xf32>
        %parallel_loop3A_104 = arith.mulf %parallel_loop3A_103, %parallel_loop3A_99 : vector<16xf32>
        %parallel_loop3A_105 = arith.index_cast %parallel_loop3A_43 : i32 to index
        %parallel_loop3A_106 = arith.constant 32 : index
        %parallel_loop3A_107 = tpu.vector_load %arg9[%parallel_loop3A_105, %parallel_loop3A_106] {strides = array<i32>} : memref<128x144xf32, #tpu.memory_space<vmem>>, vector<1x16xf32>,
        %parallel_loop3A_108 = vector.shape_cast %parallel_loop3A_107 : vector<1x16xf32> to vector<16xf32>
        %parallel_loop3A_109 = vector.shape_cast %parallel_loop3A_104 : vector<16xf32> to vector<1x16xf32>
        tpu.vector_store %arg9[%parallel_loop3A_105, %parallel_loop3A_106], %parallel_loop3A_109 {strides = array<i32>} : memref<128x144xf32, #tpu.memory_space<vmem>>, vector<1x16xf32>,
        %parallel_loop3A_110 = arith.index_cast %parallel_loop3A_43 : i32 to index
        %parallel_loop3A_111 = arith.constant 48 : index
        %parallel_loop3A_112 = tpu.vector_load %arg9[%parallel_loop3A_110, %parallel_loop3A_111] {strides = array<i32>} : memref<128x144xf32, #tpu.memory_space<vmem>>, vector<1x16xf32>,
        %parallel_loop3A_113 = vector.shape_cast %parallel_loop3A_112 : vector<1x16xf32> to vector<16xf32>
        %parallel_loop3A_114 = arith.mulf %parallel_loop3A_113, %parallel_loop3A_99 : vector<16xf32>
        %parallel_loop3A_115 = arith.index_cast %parallel_loop3A_43 : i32 to index
        %parallel_loop3A_116 = arith.constant 48 : index
        %parallel_loop3A_117 = tpu.vector_load %arg9[%parallel_loop3A_115, %parallel_loop3A_116] {strides = array<i32>} : memref<128x144xf32, #tpu.memory_space<vmem>>, vector<1x16xf32>,
        %parallel_loop3A_118 = vector.shape_cast %parallel_loop3A_117 : vector<1x16xf32> to vector<16xf32>
        %parallel_loop3A_119 = vector.shape_cast %parallel_loop3A_114 : vector<16xf32> to vector<1x16xf32>
        tpu.vector_store %arg9[%parallel_loop3A_115, %parallel_loop3A_116], %parallel_loop3A_119 {strides = array<i32>} : memref<128x144xf32, #tpu.memory_space<vmem>>, vector<1x16xf32>,
        %parallel_loop3A_120 = arith.constant 2 : i32
        %parallel_loop3A_121 = vector.broadcast %parallel_loop3A_120 : i32 to vector<16x1xi32>
        %parallel_loop3A_122 = vector.shape_cast %parallel_loop3A_121 : vector<16x1xi32> to vector<16xi32>
        %parallel_loop3A_123 = tpu.dynamic_gather %parallel_loop3A_66[%parallel_loop3A_122] in [0] : vector<16xf32>, vector<16xi32> -> vector<16xf32>
        %parallel_loop3A_124 = arith.index_cast %parallel_loop3A_43 : i32 to index
        %parallel_loop3A_125 = arith.constant 64 : index
        %parallel_loop3A_126 = tpu.vector_load %arg9[%parallel_loop3A_124, %parallel_loop3A_125] {strides = array<i32>} : memref<128x144xf32, #tpu.memory_space<vmem>>, vector<1x16xf32>,
        %parallel_loop3A_127 = vector.shape_cast %parallel_loop3A_126 : vector<1x16xf32> to vector<16xf32>
        %parallel_loop3A_128 = arith.mulf %parallel_loop3A_127, %parallel_loop3A_123 : vector<16xf32>
        %parallel_loop3A_129 = arith.index_cast %parallel_loop3A_43 : i32 to index
        %parallel_loop3A_130 = arith.constant 64 : index
        %parallel_loop3A_131 = tpu.vector_load %arg9[%parallel_loop3A_129, %parallel_loop3A_130] {strides = array<i32>} : memref<128x144xf32, #tpu.memory_space<vmem>>, vector<1x16xf32>,
        %parallel_loop3A_132 = vector.shape_cast %parallel_loop3A_131 : vector<1x16xf32> to vector<16xf32>
        %parallel_loop3A_133 = vector.shape_cast %parallel_loop3A_128 : vector<16xf32> to vector<1x16xf32>
        tpu.vector_store %arg9[%parallel_loop3A_129, %parallel_loop3A_130], %parallel_loop3A_133 {strides = array<i32>} : memref<128x144xf32, #tpu.memory_space<vmem>>, vector<1x16xf32>,
        %parallel_loop3A_134 = arith.index_cast %parallel_loop3A_43 : i32 to index
        %parallel_loop3A_135 = arith.constant 80 : index
        %parallel_loop3A_136 = tpu.vector_load %arg9[%parallel_loop3A_134, %parallel_loop3A_135] {strides = array<i32>} : memref<128x144xf32, #tpu.memory_space<vmem>>, vector<1x16xf32>,
        %parallel_loop3A_137 = vector.shape_cast %parallel_loop3A_136 : vector<1x16xf32> to vector<16xf32>
        %parallel_loop3A_138 = arith.mulf %parallel_loop3A_137, %parallel_loop3A_123 : vector<16xf32>
        %parallel_loop3A_139 = arith.index_cast %parallel_loop3A_43 : i32 to index
        %parallel_loop3A_140 = arith.constant 80 : index
        %parallel_loop3A_141 = tpu.vector_load %arg9[%parallel_loop3A_139, %parallel_loop3A_140] {strides = array<i32>} : memref<128x144xf32, #tpu.memory_space<vmem>>, vector<1x16xf32>,
        %parallel_loop3A_142 = vector.shape_cast %parallel_loop3A_141 : vector<1x16xf32> to vector<16xf32>
        %parallel_loop3A_143 = vector.shape_cast %parallel_loop3A_138 : vector<16xf32> to vector<1x16xf32>
        tpu.vector_store %arg9[%parallel_loop3A_139, %parallel_loop3A_140], %parallel_loop3A_143 {strides = array<i32>} : memref<128x144xf32, #tpu.memory_space<vmem>>, vector<1x16xf32>,
        %parallel_loop3A_144 = arith.constant 3 : i32
        %parallel_loop3A_145 = vector.broadcast %parallel_loop3A_144 : i32 to vector<16x1xi32>
        %parallel_loop3A_146 = vector.shape_cast %parallel_loop3A_145 : vector<16x1xi32> to vector<16xi32>
        %parallel_loop3A_147 = tpu.dynamic_gather %parallel_loop3A_66[%parallel_loop3A_146] in [0] : vector<16xf32>, vector<16xi32> -> vector<16xf32>
        %parallel_loop3A_148 = arith.index_cast %parallel_loop3A_43 : i32 to index
        %parallel_loop3A_149 = arith.constant 96 : index
        %parallel_loop3A_150 = tpu.vector_load %arg9[%parallel_loop3A_148, %parallel_loop3A_149] {strides = array<i32>} : memref<128x144xf32, #tpu.memory_space<vmem>>, vector<1x16xf32>,
        %parallel_loop3A_151 = vector.shape_cast %parallel_loop3A_150 : vector<1x16xf32> to vector<16xf32>
        %parallel_loop3A_152 = arith.mulf %parallel_loop3A_151, %parallel_loop3A_147 : vector<16xf32>
        %parallel_loop3A_153 = arith.index_cast %parallel_loop3A_43 : i32 to index
        %parallel_loop3A_154 = arith.constant 96 : index
        %parallel_loop3A_155 = tpu.vector_load %arg9[%parallel_loop3A_153, %parallel_loop3A_154] {strides = array<i32>} : memref<128x144xf32, #tpu.memory_space<vmem>>, vector<1x16xf32>,
        %parallel_loop3A_156 = vector.shape_cast %parallel_loop3A_155 : vector<1x16xf32> to vector<16xf32>
        %parallel_loop3A_157 = vector.shape_cast %parallel_loop3A_152 : vector<16xf32> to vector<1x16xf32>
        tpu.vector_store %arg9[%parallel_loop3A_153, %parallel_loop3A_154], %parallel_loop3A_157 {strides = array<i32>} : memref<128x144xf32, #tpu.memory_space<vmem>>, vector<1x16xf32>,
        %parallel_loop3A_158 = arith.index_cast %parallel_loop3A_43 : i32 to index
        %parallel_loop3A_159 = arith.constant 112 : index
        %parallel_loop3A_160 = tpu.vector_load %arg9[%parallel_loop3A_158, %parallel_loop3A_159] {strides = array<i32>} : memref<128x144xf32, #tpu.memory_space<vmem>>, vector<1x16xf32>,
        %parallel_loop3A_161 = vector.shape_cast %parallel_loop3A_160 : vector<1x16xf32> to vector<16xf32>
        %parallel_loop3A_162 = arith.mulf %parallel_loop3A_161, %parallel_loop3A_147 : vector<16xf32>
        %parallel_loop3A_163 = arith.index_cast %parallel_loop3A_43 : i32 to index
        %parallel_loop3A_164 = arith.constant 112 : index
        %parallel_loop3A_165 = tpu.vector_load %arg9[%parallel_loop3A_163, %parallel_loop3A_164] {strides = array<i32>} : memref<128x144xf32, #tpu.memory_space<vmem>>, vector<1x16xf32>,
        %parallel_loop3A_166 = vector.shape_cast %parallel_loop3A_165 : vector<1x16xf32> to vector<16xf32>
        %parallel_loop3A_167 = vector.shape_cast %parallel_loop3A_162 : vector<16xf32> to vector<1x16xf32>
        tpu.vector_store %arg9[%parallel_loop3A_163, %parallel_loop3A_164], %parallel_loop3A_167 {strides = array<i32>} : memref<128x144xf32, #tpu.memory_space<vmem>>, vector<1x16xf32>,
      } {sc.loop_unroll_factor = 8 : i64, sc.parallel_access}
      "tpu.region"() ({
        %run_scoped3A = tpu.sem_alloc : memref<!tpu.dma_semaphore, #tpu.memory_space<semaphore_mem>>
        %dma_start3A_43 = arith.constant 0 : i32
        %dma_start3A_44 = arith.constant 0 : i32
        %dma_start3A_45 = tpu.memref_slice %arg12[%dma_start3A_43, %dma_start3A_44] : memref<10240x144xf32, #tpu.memory_space<vmem_shared>> -> memref<10240x144xf32, #tpu.memory_space<vmem_shared>>
        tpu.enqueue_indirect_dma source(%arg9 : memref<128x144xf32, #tpu.memory_space<vmem>>) target(%dma_start3A_45 : memref<10240x144xf32, #tpu.memory_space<vmem_shared>>) offsets(%arg8 : memref<128xi32, #tpu.memory_space<vmem>>) semaphore(%run_scoped3A : memref<!tpu.dma_semaphore, #tpu.memory_space<semaphore_mem>>) {add = true}
        %dma_wait3A_46 = arith.constant 0 : i32
        %dma_wait3A_47 = arith.constant 0 : i32
        %dma_wait3A_48 = tpu.memref_slice %arg12[%dma_wait3A_46, %dma_wait3A_47] : memref<10240x144xf32, #tpu.memory_space<vmem_shared>> -> memref<10240x144xf32, #tpu.memory_space<vmem_shared>>
        tpu.wait_indirect_dma semaphore(%run_scoped3A : memref<!tpu.dma_semaphore, #tpu.memory_space<semaphore_mem>>) src(%arg9 : memref<128x144xf32, #tpu.memory_space<vmem>>) dst(%dma_wait3A_48 : memref<10240x144xf32, #tpu.memory_space<vmem_shared>>)
        tpu.yield
      }) : () -> ()
    }
    %scan3A_17 = arith.constant 82 : i32
    %barrier3A_18 = arith.constant 0 : index
    tpu.barrier barrier_id(%barrier3A_18)
    %scan3A_19 = arith.constant 0 : i32
    %scan3A_20 = arith.constant 0 : i32
    %scan3A_21 = arith.constant 10 : i32
    %scan3A_22 = arith.addi %scan3A_20, %scan3A_21 : i32
    %scan3A_23 = arith.constant 1 : i32
    scf.for %scan3A_25 = %scan3A_20 to %scan3A_22 step %scan3A_23  : i32 {
      %mul3A_26 = arith.constant 640 : i32
      %mul3A_27 = arith.muli %arg1, %mul3A_26 : i32
      %mul3A_28 = arith.constant 64 : i32
      %mul3A_29 = arith.muli %scan3A_25, %mul3A_28 : i32
      %add3A_30 = arith.addi %mul3A_27, %mul3A_29 : i32
      "tpu.region"() ({
        %run_scoped3A = tpu.sem_alloc : memref<!tpu.dma_semaphore, #tpu.memory_space<semaphore_mem>>
        %dma_start3A = arith.constant 0 : i32
        %dma_start3A_31 = tpu.memref_slice %arg6[%arg0, %add3A_30, %dma_start3A] : memref<2x10240x144xf32, #tpu.memory_space<hbm>> -> memref<1x64x144xf32, #tpu.memory_space<hbm>>
        %dma_start3A_32 = tpu.memref_squeeze %dma_start3A_31 : memref<1x64x144xf32, #tpu.memory_space<hbm>> -> memref<64x144xf32, #tpu.memory_space<hbm>>
        %dma_start3A_33 = arith.constant 0 : i32
        %dma_start3A_34 = tpu.memref_slice %arg12[%add3A_30, %dma_start3A_33] : memref<10240x144xf32, #tpu.memory_space<vmem_shared>> -> memref<64x144xf32, #tpu.memory_space<vmem_shared>>
        tpu.enqueue_dma source(%dma_start3A_34 : memref<64x144xf32, #tpu.memory_space<vmem_shared>>) target(%dma_start3A_32 : memref<64x144xf32, #tpu.memory_space<hbm>>) target_semaphore(%run_scoped3A : memref<!tpu.dma_semaphore, #tpu.memory_space<semaphore_mem>>)
        %dma_wait3A = arith.constant 0 : i32
        %dma_wait3A_35 = tpu.memref_slice %arg6[%arg0, %add3A_30, %dma_wait3A] : memref<2x10240x144xf32, #tpu.memory_space<hbm>> -> memref<1x64x144xf32, #tpu.memory_space<hbm>>
        %dma_wait3A_36 = tpu.memref_squeeze %dma_wait3A_35 : memref<1x64x144xf32, #tpu.memory_space<hbm>> -> memref<64x144xf32, #tpu.memory_space<hbm>>
        %dma_wait3A_37 = arith.constant 0 : i32
        %dma_wait3A_38 = tpu.memref_slice %arg12[%add3A_30, %dma_wait3A_37] : memref<10240x144xf32, #tpu.memory_space<vmem_shared>> -> memref<64x144xf32, #tpu.memory_space<vmem_shared>>
        tpu.wait_dma2 semaphore(%run_scoped3A : memref<!tpu.dma_semaphore, #tpu.memory_space<semaphore_mem>>) src(%dma_wait3A_38 : memref<64x144xf32, #tpu.memory_space<vmem_shared>>) dst(%dma_wait3A_36 : memref<64x144xf32, #tpu.memory_space<hbm>>)
        tpu.yield
      }) : () -> ()
    }
    %scan3A_24 = arith.constant 10 : i32
    return
  }
}

#map = affine_map<(d0, d1) -> (0, 0)>
#map1 = affine_map<(d0, d1) -> (0)>
#map2 = affine_map<(d0, d1) -> (0, 0, 0)>
module attributes {stable_mosaic.version = 14 : i64} {
  func.func @k(%arg0: i32, %arg1: i32, %arg2: memref<10240x144xf32, #tpu.memory_space<hbm>>, %arg3: memref<10240x16xf32, #tpu.memory_space<hbm>>, %arg4: memref<335872xi32, #tpu.memory_space<hbm>>, %arg5: memref<335872xi32, #tpu.memory_space<hbm>>, %arg6: memref<2x10240x144xf32, #tpu.memory_space<hbm>>, %arg7: memref<128xi32, #tpu.memory_space<vmem>>, %arg8: memref<128xi32, #tpu.memory_space<vmem>>, %arg9: memref<128x144xf32, #tpu.memory_space<vmem>>, %arg10: memref<128x16xf32, #tpu.memory_space<vmem>>, %arg11: memref<64x144xf32, #tpu.memory_space<vmem>>, %arg12: memref<10240x144xf32, #tpu.memory_space<vmem_shared>>, %arg13: memref<!tpu.dma_semaphore, #tpu.memory_space<semaphore_mem>>, %arg14: memref<!tpu.dma_semaphore, #tpu.memory_space<semaphore_mem>>) attributes {dimension_semantics = [#tpu.dimension_semantics<core_parallel>, #tpu.dimension_semantics<subcore_parallel>], iteration_bounds = array<i64: 2, 16>, scalar_prefetch = 0 : i64, scratch_operands = 8 : i64, tpu.core_type = #tpu.core_type<sc_vector_subcore>, window_params = [{transform_indices = #map}, {transform_indices = #map}, {transform_indices = #map1}, {transform_indices = #map1}, {transform_indices = #map2}]} {
    %mul3A = arith.constant 2 : i32
    %mul3A_0 = arith.muli %arg1, %mul3A : i32
    %add3A = arith.addi %mul3A_0, %arg0 : i32
    %iota3A = tpu.iota {dimensions = array<i32: 0>} : vector<16xi32>
    %scan3A = arith.constant 0 : i32
    %scan3A_1 = arith.constant 0 : i32
    %scan3A_2 = arith.constant 64 : i32
    %scan3A_3 = arith.addi %scan3A_1, %scan3A_2 : i32
    %scan3A_4 = arith.constant 1 : i32
    scf.for %scan3A_25 = %scan3A_1 to %scan3A_3 step %scan3A_4  : i32 {
      %broadcast_in_dim3A = arith.constant 0.000000e+00 : f32
      %broadcast_in_dim3A_26 = vector.broadcast %broadcast_in_dim3A : f32 to vector<16xf32>
      %swap3A = arith.index_cast %scan3A_25 : i32 to index
      %swap3A_27 = arith.constant 0 : index
      %swap3A_28 = tpu.vector_load %arg11[%swap3A, %swap3A_27] {strides = array<i32>} : memref<64x144xf32, #tpu.memory_space<vmem>>, vector<1x16xf32>,
      %swap3A_29 = vector.shape_cast %swap3A_28 : vector<1x16xf32> to vector<16xf32>
      %swap3A_30 = vector.shape_cast %broadcast_in_dim3A_26 : vector<16xf32> to vector<1x16xf32>
      tpu.vector_store %arg11[%swap3A, %swap3A_27], %swap3A_30 {strides = array<i32>} : memref<64x144xf32, #tpu.memory_space<vmem>>, vector<1x16xf32>,
      %broadcast_in_dim3A_31 = arith.constant 0.000000e+00 : f32
      %broadcast_in_dim3A_32 = vector.broadcast %broadcast_in_dim3A_31 : f32 to vector<16xf32>
      %swap3A_33 = arith.index_cast %scan3A_25 : i32 to index
      %swap3A_34 = arith.constant 16 : index
      %swap3A_35 = tpu.vector_load %arg11[%swap3A_33, %swap3A_34] {strides = array<i32>} : memref<64x144xf32, #tpu.memory_space<vmem>>, vector<1x16xf32>,
      %swap3A_36 = vector.shape_cast %swap3A_35 : vector<1x16xf32> to vector<16xf32>
      %swap3A_37 = vector.shape_cast %broadcast_in_dim3A_32 : vector<16xf32> to vector<1x16xf32>
      tpu.vector_store %arg11[%swap3A_33, %swap3A_34], %swap3A_37 {strides = array<i32>} : memref<64x144xf32, #tpu.memory_space<vmem>>, vector<1x16xf32>,
      %broadcast_in_dim3A_38 = arith.constant 0.000000e+00 : f32
      %broadcast_in_dim3A_39 = vector.broadcast %broadcast_in_dim3A_38 : f32 to vector<16xf32>
      %swap3A_40 = arith.index_cast %scan3A_25 : i32 to index
      %swap3A_41 = arith.constant 32 : index
      %swap3A_42 = tpu.vector_load %arg11[%swap3A_40, %swap3A_41] {strides = array<i32>} : memref<64x144xf32, #tpu.memory_space<vmem>>, vector<1x16xf32>,
      %swap3A_43 = vector.shape_cast %swap3A_42 : vector<1x16xf32> to vector<16xf32>
      %swap3A_44 = vector.shape_cast %broadcast_in_dim3A_39 : vector<16xf32> to vector<1x16xf32>
      tpu.vector_store %arg11[%swap3A_40, %swap3A_41], %swap3A_44 {strides = array<i32>} : memref<64x144xf32, #tpu.memory_space<vmem>>, vector<1x16xf32>,
      %broadcast_in_dim3A_45 = arith.constant 0.000000e+00 : f32
      %broadcast_in_dim3A_46 = vector.broadcast %broadcast_in_dim3A_45 : f32 to vector<16xf32>
      %swap3A_47 = arith.index_cast %scan3A_25 : i32 to index
      %swap3A_48 = arith.constant 48 : index
      %swap3A_49 = tpu.vector_load %arg11[%swap3A_47, %swap3A_48] {strides = array<i32>} : memref<64x144xf32, #tpu.memory_space<vmem>>, vector<1x16xf32>,
      %swap3A_50 = vector.shape_cast %swap3A_49 : vector<1x16xf32> to vector<16xf32>
      %swap3A_51 = vector.shape_cast %broadcast_in_dim3A_46 : vector<16xf32> to vector<1x16xf32>
      tpu.vector_store %arg11[%swap3A_47, %swap3A_48], %swap3A_51 {strides = array<i32>} : memref<64x144xf32, #tpu.memory_space<vmem>>, vector<1x16xf32>,
      %broadcast_in_dim3A_52 = arith.constant 0.000000e+00 : f32
      %broadcast_in_dim3A_53 = vector.broadcast %broadcast_in_dim3A_52 : f32 to vector<16xf32>
      %swap3A_54 = arith.index_cast %scan3A_25 : i32 to index
      %swap3A_55 = arith.constant 64 : index
      %swap3A_56 = tpu.vector_load %arg11[%swap3A_54, %swap3A_55] {strides = array<i32>} : memref<64x144xf32, #tpu.memory_space<vmem>>, vector<1x16xf32>,
      %swap3A_57 = vector.shape_cast %swap3A_56 : vector<1x16xf32> to vector<16xf32>
      %swap3A_58 = vector.shape_cast %broadcast_in_dim3A_53 : vector<16xf32> to vector<1x16xf32>
      tpu.vector_store %arg11[%swap3A_54, %swap3A_55], %swap3A_58 {strides = array<i32>} : memref<64x144xf32, #tpu.memory_space<vmem>>, vector<1x16xf32>,
      %broadcast_in_dim3A_59 = arith.constant 0.000000e+00 : f32
      %broadcast_in_dim3A_60 = vector.broadcast %broadcast_in_dim3A_59 : f32 to vector<16xf32>
      %swap3A_61 = arith.index_cast %scan3A_25 : i32 to index
      %swap3A_62 = arith.constant 80 : index
      %swap3A_63 = tpu.vector_load %arg11[%swap3A_61, %swap3A_62] {strides = array<i32>} : memref<64x144xf32, #tpu.memory_space<vmem>>, vector<1x16xf32>,
      %swap3A_64 = vector.shape_cast %swap3A_63 : vector<1x16xf32> to vector<16xf32>
      %swap3A_65 = vector.shape_cast %broadcast_in_dim3A_60 : vector<16xf32> to vector<1x16xf32>
      tpu.vector_store %arg11[%swap3A_61, %swap3A_62], %swap3A_65 {strides = array<i32>} : memref<64x144xf32, #tpu.memory_space<vmem>>, vector<1x16xf32>,
      %broadcast_in_dim3A_66 = arith.constant 0.000000e+00 : f32
      %broadcast_in_dim3A_67 = vector.broadcast %broadcast_in_dim3A_66 : f32 to vector<16xf32>
      %swap3A_68 = arith.index_cast %scan3A_25 : i32 to index
      %swap3A_69 = arith.constant 96 : index
      %swap3A_70 = tpu.vector_load %arg11[%swap3A_68, %swap3A_69] {strides = array<i32>} : memref<64x144xf32, #tpu.memory_space<vmem>>, vector<1x16xf32>,
      %swap3A_71 = vector.shape_cast %swap3A_70 : vector<1x16xf32> to vector<16xf32>
      %swap3A_72 = vector.shape_cast %broadcast_in_dim3A_67 : vector<16xf32> to vector<1x16xf32>
      tpu.vector_store %arg11[%swap3A_68, %swap3A_69], %swap3A_72 {strides = array<i32>} : memref<64x144xf32, #tpu.memory_space<vmem>>, vector<1x16xf32>,
      %broadcast_in_dim3A_73 = arith.constant 0.000000e+00 : f32
      %broadcast_in_dim3A_74 = vector.broadcast %broadcast_in_dim3A_73 : f32 to vector<16xf32>
      %swap3A_75 = arith.index_cast %scan3A_25 : i32 to index
      %swap3A_76 = arith.constant 112 : index
      %swap3A_77 = tpu.vector_load %arg11[%swap3A_75, %swap3A_76] {strides = array<i32>} : memref<64x144xf32, #tpu.memory_space<vmem>>, vector<1x16xf32>,
      %swap3A_78 = vector.shape_cast %swap3A_77 : vector<1x16xf32> to vector<16xf32>
      %swap3A_79 = vector.shape_cast %broadcast_in_dim3A_74 : vector<16xf32> to vector<1x16xf32>
      tpu.vector_store %arg11[%swap3A_75, %swap3A_76], %swap3A_79 {strides = array<i32>} : memref<64x144xf32, #tpu.memory_space<vmem>>, vector<1x16xf32>,
      %broadcast_in_dim3A_80 = arith.constant 0.000000e+00 : f32
      %broadcast_in_dim3A_81 = vector.broadcast %broadcast_in_dim3A_80 : f32 to vector<16xf32>
      %swap3A_82 = arith.index_cast %scan3A_25 : i32 to index
      %swap3A_83 = arith.constant 128 : index
      %swap3A_84 = tpu.vector_load %arg11[%swap3A_82, %swap3A_83] {strides = array<i32>} : memref<64x144xf32, #tpu.memory_space<vmem>>, vector<1x16xf32>,
      %swap3A_85 = vector.shape_cast %swap3A_84 : vector<1x16xf32> to vector<16xf32>
      %swap3A_86 = vector.shape_cast %broadcast_in_dim3A_81 : vector<16xf32> to vector<1x16xf32>
      tpu.vector_store %arg11[%swap3A_82, %swap3A_83], %swap3A_86 {strides = array<i32>} : memref<64x144xf32, #tpu.memory_space<vmem>>, vector<1x16xf32>,
    }
    %scan3A_5 = arith.constant 64 : i32
    %scan3A_6 = arith.constant 0 : i32
    %scan3A_7 = arith.constant 0 : i32
    %scan3A_8 = arith.constant 10 : i32
    %scan3A_9 = arith.addi %scan3A_7, %scan3A_8 : i32
    %scan3A_10 = arith.constant 1 : i32
    scf.for %scan3A_25 = %scan3A_7 to %scan3A_9 step %scan3A_10  : i32 {
      %mul3A_26 = arith.constant 640 : i32
      %mul3A_27 = arith.muli %arg1, %mul3A_26 : i32
      %mul3A_28 = arith.constant 64 : i32
      %mul3A_29 = arith.muli %scan3A_25, %mul3A_28 : i32
      %add3A_30 = arith.addi %mul3A_27, %mul3A_29 : i32
      "tpu.region"() ({
        %run_scoped3A = tpu.sem_alloc : memref<!tpu.dma_semaphore, #tpu.memory_space<semaphore_mem>>
        %dma_start3A = arith.constant 0 : i32
        %dma_start3A_31 = tpu.memref_slice %arg12[%add3A_30, %dma_start3A] : memref<10240x144xf32, #tpu.memory_space<vmem_shared>> -> memref<64x144xf32, #tpu.memory_space<vmem_shared>>
        %dma_start3A_32 = arith.constant 0 : i32
        %dma_start3A_33 = tpu.memref_slice %arg12[%add3A_30, %dma_start3A_32] : memref<10240x144xf32, #tpu.memory_space<vmem_shared>> -> memref<64x144xf32, #tpu.memory_space<vmem_shared>>
        tpu.enqueue_dma source(%arg11 : memref<64x144xf32, #tpu.memory_space<vmem>>) target(%dma_start3A_33 : memref<64x144xf32, #tpu.memory_space<vmem_shared>>) target_semaphore(%run_scoped3A : memref<!tpu.dma_semaphore, #tpu.memory_space<semaphore_mem>>)
        %dma_wait3A = arith.constant 0 : i32
        %dma_wait3A_34 = tpu.memref_slice %arg12[%add3A_30, %dma_wait3A] : memref<10240x144xf32, #tpu.memory_space<vmem_shared>> -> memref<64x144xf32, #tpu.memory_space<vmem_shared>>
        %dma_wait3A_35 = arith.constant 0 : i32
        %dma_wait3A_36 = tpu.memref_slice %arg12[%add3A_30, %dma_wait3A_35] : memref<10240x144xf32, #tpu.memory_space<vmem_shared>> -> memref<64x144xf32, #tpu.memory_space<vmem_shared>>
        tpu.wait_dma2 semaphore(%run_scoped3A : memref<!tpu.dma_semaphore, #tpu.memory_space<semaphore_mem>>) src(%arg11 : memref<64x144xf32, #tpu.memory_space<vmem>>) dst(%dma_wait3A_36 : memref<64x144xf32, #tpu.memory_space<vmem_shared>>)
        tpu.yield
      }) : () -> ()
    }
    %scan3A_11 = arith.constant 10 : i32
    %barrier3A = arith.constant 0 : index
    tpu.barrier barrier_id(%barrier3A)
    %scan3A_12 = arith.constant 0 : i32
    %scan3A_13 = arith.constant 0 : i32
    %scan3A_14 = arith.constant 82 : i32
    %scan3A_15 = arith.addi %scan3A_13, %scan3A_14 : i32
    %scan3A_16 = arith.constant 1 : i32
    scf.for %scan3A_25 = %scan3A_13 to %scan3A_15 step %scan3A_16  : i32 {
      %mul3A_26 = arith.constant 82 : i32
      %mul3A_27 = arith.muli %add3A, %mul3A_26 : i32
      %add3A_28 = arith.addi %mul3A_27, %scan3A_25 : i32
      %mul3A_29 = arith.constant 128 : i32
      %mul3A_30 = arith.muli %add3A_28, %mul3A_29 : i32
      "tpu.region"() ({
        %run_scoped3A = tpu.sem_alloc : memref<!tpu.dma_semaphore, #tpu.memory_space<semaphore_mem>>
        %dma_start3A_43 = tpu.memref_slice %arg4[%mul3A_30] : memref<335872xi32, #tpu.memory_space<hbm>> -> memref<128xi32, #tpu.memory_space<hbm>>
        %dma_start3A_44 = tpu.memref_slice %arg4[%mul3A_30] : memref<335872xi32, #tpu.memory_space<hbm>> -> memref<128xi32, #tpu.memory_space<hbm>>
        tpu.enqueue_dma source(%dma_start3A_44 : memref<128xi32, #tpu.memory_space<hbm>>) target(%arg7 : memref<128xi32, #tpu.memory_space<vmem>>) target_semaphore(%run_scoped3A : memref<!tpu.dma_semaphore, #tpu.memory_space<semaphore_mem>>)
        %dma_wait3A_45 = tpu.memref_slice %arg4[%mul3A_30] : memref<335872xi32, #tpu.memory_space<hbm>> -> memref<128xi32, #tpu.memory_space<hbm>>
        %dma_wait3A_46 = tpu.memref_slice %arg4[%mul3A_30] : memref<335872xi32, #tpu.memory_space<hbm>> -> memref<128xi32, #tpu.memory_space<hbm>>
        tpu.wait_dma2 semaphore(%run_scoped3A : memref<!tpu.dma_semaphore, #tpu.memory_space<semaphore_mem>>) src(%dma_wait3A_46 : memref<128xi32, #tpu.memory_space<hbm>>) dst(%arg7 : memref<128xi32, #tpu.memory_space<vmem>>)
        tpu.yield
      }) : () -> ()
      "tpu.region"() ({
        %run_scoped3A = tpu.sem_alloc : memref<!tpu.dma_semaphore, #tpu.memory_space<semaphore_mem>>
        %dma_start3A_43 = tpu.memref_slice %arg5[%mul3A_30] : memref<335872xi32, #tpu.memory_space<hbm>> -> memref<128xi32, #tpu.memory_space<hbm>>
        %dma_start3A_44 = tpu.memref_slice %arg5[%mul3A_30] : memref<335872xi32, #tpu.memory_space<hbm>> -> memref<128xi32, #tpu.memory_space<hbm>>
        tpu.enqueue_dma source(%dma_start3A_44 : memref<128xi32, #tpu.memory_space<hbm>>) target(%arg8 : memref<128xi32, #tpu.memory_space<vmem>>) target_semaphore(%run_scoped3A : memref<!tpu.dma_semaphore, #tpu.memory_space<semaphore_mem>>)
        %dma_wait3A_45 = tpu.memref_slice %arg5[%mul3A_30] : memref<335872xi32, #tpu.memory_space<hbm>> -> memref<128xi32, #tpu.memory_space<hbm>>
        %dma_wait3A_46 = tpu.memref_slice %arg5[%mul3A_30] : memref<335872xi32, #tpu.memory_space<hbm>> -> memref<128xi32, #tpu.memory_space<hbm>>
        tpu.wait_dma2 semaphore(%run_scoped3A : memref<!tpu.dma_semaphore, #tpu.memory_space<semaphore_mem>>) src(%dma_wait3A_46 : memref<128xi32, #tpu.memory_space<hbm>>) dst(%arg8 : memref<128xi32, #tpu.memory_space<vmem>>)
        tpu.yield
      }) : () -> ()
      %dma_start3A = arith.constant 0 : i32
      %dma_start3A_31 = arith.constant 0 : i32
      %dma_start3A_32 = tpu.memref_slice %arg2[%dma_start3A, %dma_start3A_31] : memref<10240x144xf32, #tpu.memory_space<hbm>> -> memref<10240x144xf32, #tpu.memory_space<hbm>>
      tpu.enqueue_indirect_dma source(%dma_start3A_32 : memref<10240x144xf32, #tpu.memory_space<hbm>>) target(%arg9 : memref<128x144xf32, #tpu.memory_space<vmem>>) offsets(%arg7 : memref<128xi32, #tpu.memory_space<vmem>>) semaphore(%arg13 : memref<!tpu.dma_semaphore, #tpu.memory_space<semaphore_mem>>)
      %dma_start3A_33 = arith.constant 0 : i32
      %dma_start3A_34 = arith.constant 0 : i32
      %dma_start3A_35 = tpu.memref_slice %arg3[%dma_start3A_33, %dma_start3A_34] : memref<10240x16xf32, #tpu.memory_space<hbm>> -> memref<10240x16xf32, #tpu.memory_space<hbm>>
      tpu.enqueue_indirect_dma source(%dma_start3A_35 : memref<10240x16xf32, #tpu.memory_space<hbm>>) target(%arg10 : memref<128x16xf32, #tpu.memory_space<vmem>>) offsets(%arg8 : memref<128xi32, #tpu.memory_space<vmem>>) semaphore(%arg14 : memref<!tpu.dma_semaphore, #tpu.memory_space<semaphore_mem>>)
      %dma_wait3A = arith.constant 0 : i32
      %dma_wait3A_36 = arith.constant 0 : i32
      %dma_wait3A_37 = tpu.memref_slice %arg2[%dma_wait3A, %dma_wait3A_36] : memref<10240x144xf32, #tpu.memory_space<hbm>> -> memref<10240x144xf32, #tpu.memory_space<hbm>>
      tpu.wait_indirect_dma semaphore(%arg13 : memref<!tpu.dma_semaphore, #tpu.memory_space<semaphore_mem>>) src(%dma_wait3A_37 : memref<10240x144xf32, #tpu.memory_space<hbm>>) dst(%arg9 : memref<128x144xf32, #tpu.memory_space<vmem>>)
      %dma_wait3A_38 = arith.constant 0 : i32
      %dma_wait3A_39 = arith.constant 0 : i32
      %dma_wait3A_40 = tpu.memref_slice %arg3[%dma_wait3A_38, %dma_wait3A_39] : memref<10240x16xf32, #tpu.memory_space<hbm>> -> memref<10240x16xf32, #tpu.memory_space<hbm>>
      tpu.wait_indirect_dma semaphore(%arg14 : memref<!tpu.dma_semaphore, #tpu.memory_space<semaphore_mem>>) src(%dma_wait3A_40 : memref<10240x16xf32, #tpu.memory_space<hbm>>) dst(%arg10 : memref<128x16xf32, #tpu.memory_space<vmem>>)
      %parallel_loop3A = arith.constant 0 : i32
      %parallel_loop3A_41 = arith.constant 128 : i32
      %parallel_loop3A_42 = arith.constant 1 : i32
      scf.for %parallel_loop3A_43 = %parallel_loop3A to %parallel_loop3A_41 step %parallel_loop3A_42  : i32 {
        %parallel_loop3A_44 = arith.index_cast %parallel_loop3A_43 : i32 to index
        %parallel_loop3A_45 = arith.constant 128 : index
        %parallel_loop3A_46 = tpu.vector_load %arg9[%parallel_loop3A_44, %parallel_loop3A_45] {strides = array<i32>} : memref<128x144xf32, #tpu.memory_space<vmem>>, vector<1x16xf32>,
        %parallel_loop3A_47 = vector.shape_cast %parallel_loop3A_46 : vector<1x16xf32> to vector<16xf32>
        %parallel_loop3A_48 = arith.index_cast %parallel_loop3A_43 : i32 to index
        %parallel_loop3A_49 = arith.constant 0 : index
        %parallel_loop3A_50 = tpu.vector_load %arg10[%parallel_loop3A_48, %parallel_loop3A_49] {strides = array<i32>} : memref<128x16xf32, #tpu.memory_space<vmem>>, vector<1x16xf32>,
        %parallel_loop3A_51 = vector.shape_cast %parallel_loop3A_50 : vector<1x16xf32> to vector<16xf32>
        %parallel_loop3A_52 = arith.addf %parallel_loop3A_47, %parallel_loop3A_51 : vector<16xf32>
        %parallel_loop3A_53 = arith.constant 0.000000e+00 : f32
        %parallel_loop3A_54 = vector.broadcast %parallel_loop3A_53 : f32 to vector<16xf32>
        %parallel_loop3A_55 = arith.cmpf ogt, %parallel_loop3A_52, %parallel_loop3A_54 : vector<16xf32>
        %parallel_loop3A_56 = arith.constant 2.000000e-01 : f32
        %parallel_loop3A_57 = vector.broadcast %parallel_loop3A_56 : f32 to vector<16xf32>
        %parallel_loop3A_58 = arith.mulf %parallel_loop3A_57, %parallel_loop3A_52 : vector<16xf32>
        %parallel_loop3A_59 = arith.select %parallel_loop3A_55, %parallel_loop3A_52, %parallel_loop3A_58 : vector<16xi1>, vector<16xf32>
        %parallel_loop3A_60 = math.exp %parallel_loop3A_59 : vector<16xf32>
        %parallel_loop3A_61 = arith.constant 1 : i32
        %parallel_loop3A_62 = vector.broadcast %parallel_loop3A_61 : i32 to vector<16xi32>
        %parallel_loop3A_63 = arith.cmpi slt, %iota3A, %parallel_loop3A_62 : vector<16xi32>
        %parallel_loop3A_64 = arith.constant 0.000000e+00 : f32
        %parallel_loop3A_65 = vector.broadcast %parallel_loop3A_64 : f32 to vector<16xf32>
        %parallel_loop3A_66 = arith.select %parallel_loop3A_63, %parallel_loop3A_60, %parallel_loop3A_65 : vector<16xi1>, vector<16xf32>
        %parallel_loop3A_67 = arith.index_cast %parallel_loop3A_43 : i32 to index
        %parallel_loop3A_68 = arith.constant 128 : index
        %parallel_loop3A_69 = tpu.vector_load %arg9[%parallel_loop3A_67, %parallel_loop3A_68] {strides = array<i32>} : memref<128x144xf32, #tpu.memory_space<vmem>>, vector<1x16xf32>,
        %parallel_loop3A_70 = vector.shape_cast %parallel_loop3A_69 : vector<1x16xf32> to vector<16xf32>
        %parallel_loop3A_71 = vector.shape_cast %parallel_loop3A_66 : vector<16xf32> to vector<1x16xf32>
        tpu.vector_store %arg9[%parallel_loop3A_67, %parallel_loop3A_68], %parallel_loop3A_71 {strides = array<i32>} : memref<128x144xf32, #tpu.memory_space<vmem>>, vector<1x16xf32>,
        %parallel_loop3A_72 = arith.constant 0 : i32
        %parallel_loop3A_73 = vector.broadcast %parallel_loop3A_72 : i32 to vector<16x1xi32>
        %parallel_loop3A_74 = vector.shape_cast %parallel_loop3A_73 : vector<16x1xi32> to vector<16xi32>
        %parallel_loop3A_75 = tpu.dynamic_gather %parallel_loop3A_66[%parallel_loop3A_74] in [0] : vector<16xf32>, vector<16xi32> -> vector<16xf32>
        %parallel_loop3A_76 = arith.index_cast %parallel_loop3A_43 : i32 to index
        %parallel_loop3A_77 = arith.constant 0 : index
        %parallel_loop3A_78 = tpu.vector_load %arg9[%parallel_loop3A_76, %parallel_loop3A_77] {strides = array<i32>} : memref<128x144xf32, #tpu.memory_space<vmem>>, vector<1x16xf32>,
        %parallel_loop3A_79 = vector.shape_cast %parallel_loop3A_78 : vector<1x16xf32> to vector<16xf32>
        %parallel_loop3A_80 = arith.mulf %parallel_loop3A_79, %parallel_loop3A_75 : vector<16xf32>
        %parallel_loop3A_81 = arith.index_cast %parallel_loop3A_43 : i32 to index
        %parallel_loop3A_82 = arith.constant 0 : index
        %parallel_loop3A_83 = tpu.vector_load %arg9[%parallel_loop3A_81, %parallel_loop3A_82] {strides = array<i32>} : memref<128x144xf32, #tpu.memory_space<vmem>>, vector<1x16xf32>,
        %parallel_loop3A_84 = vector.shape_cast %parallel_loop3A_83 : vector<1x16xf32> to vector<16xf32>
        %parallel_loop3A_85 = vector.shape_cast %parallel_loop3A_80 : vector<16xf32> to vector<1x16xf32>
        tpu.vector_store %arg9[%parallel_loop3A_81, %parallel_loop3A_82], %parallel_loop3A_85 {strides = array<i32>} : memref<128x144xf32, #tpu.memory_space<vmem>>, vector<1x16xf32>,
        %parallel_loop3A_86 = arith.index_cast %parallel_loop3A_43 : i32 to index
        %parallel_loop3A_87 = arith.constant 16 : index
        %parallel_loop3A_88 = tpu.vector_load %arg9[%parallel_loop3A_86, %parallel_loop3A_87] {strides = array<i32>} : memref<128x144xf32, #tpu.memory_space<vmem>>, vector<1x16xf32>,
        %parallel_loop3A_89 = vector.shape_cast %parallel_loop3A_88 : vector<1x16xf32> to vector<16xf32>
        %parallel_loop3A_90 = arith.mulf %parallel_loop3A_89, %parallel_loop3A_75 : vector<16xf32>
        %parallel_loop3A_91 = arith.index_cast %parallel_loop3A_43 : i32 to index
        %parallel_loop3A_92 = arith.constant 16 : index
        %parallel_loop3A_93 = tpu.vector_load %arg9[%parallel_loop3A_91, %parallel_loop3A_92] {strides = array<i32>} : memref<128x144xf32, #tpu.memory_space<vmem>>, vector<1x16xf32>,
        %parallel_loop3A_94 = vector.shape_cast %parallel_loop3A_93 : vector<1x16xf32> to vector<16xf32>
        %parallel_loop3A_95 = vector.shape_cast %parallel_loop3A_90 : vector<16xf32> to vector<1x16xf32>
        tpu.vector_store %arg9[%parallel_loop3A_91, %parallel_loop3A_92], %parallel_loop3A_95 {strides = array<i32>} : memref<128x144xf32, #tpu.memory_space<vmem>>, vector<1x16xf32>,
        %parallel_loop3A_96 = arith.index_cast %parallel_loop3A_43 : i32 to index
        %parallel_loop3A_97 = arith.constant 32 : index
        %parallel_loop3A_98 = tpu.vector_load %arg9[%parallel_loop3A_96, %parallel_loop3A_97] {strides = array<i32>} : memref<128x144xf32, #tpu.memory_space<vmem>>, vector<1x16xf32>,
        %parallel_loop3A_99 = vector.shape_cast %parallel_loop3A_98 : vector<1x16xf32> to vector<16xf32>
        %parallel_loop3A_100 = arith.mulf %parallel_loop3A_99, %parallel_loop3A_75 : vector<16xf32>
        %parallel_loop3A_101 = arith.index_cast %parallel_loop3A_43 : i32 to index
        %parallel_loop3A_102 = arith.constant 32 : index
        %parallel_loop3A_103 = tpu.vector_load %arg9[%parallel_loop3A_101, %parallel_loop3A_102] {strides = array<i32>} : memref<128x144xf32, #tpu.memory_space<vmem>>, vector<1x16xf32>,
        %parallel_loop3A_104 = vector.shape_cast %parallel_loop3A_103 : vector<1x16xf32> to vector<16xf32>
        %parallel_loop3A_105 = vector.shape_cast %parallel_loop3A_100 : vector<16xf32> to vector<1x16xf32>
        tpu.vector_store %arg9[%parallel_loop3A_101, %parallel_loop3A_102], %parallel_loop3A_105 {strides = array<i32>} : memref<128x144xf32, #tpu.memory_space<vmem>>, vector<1x16xf32>,
        %parallel_loop3A_106 = arith.index_cast %parallel_loop3A_43 : i32 to index
        %parallel_loop3A_107 = arith.constant 48 : index
        %parallel_loop3A_108 = tpu.vector_load %arg9[%parallel_loop3A_106, %parallel_loop3A_107] {strides = array<i32>} : memref<128x144xf32, #tpu.memory_space<vmem>>, vector<1x16xf32>,
        %parallel_loop3A_109 = vector.shape_cast %parallel_loop3A_108 : vector<1x16xf32> to vector<16xf32>
        %parallel_loop3A_110 = arith.mulf %parallel_loop3A_109, %parallel_loop3A_75 : vector<16xf32>
        %parallel_loop3A_111 = arith.index_cast %parallel_loop3A_43 : i32 to index
        %parallel_loop3A_112 = arith.constant 48 : index
        %parallel_loop3A_113 = tpu.vector_load %arg9[%parallel_loop3A_111, %parallel_loop3A_112] {strides = array<i32>} : memref<128x144xf32, #tpu.memory_space<vmem>>, vector<1x16xf32>,
        %parallel_loop3A_114 = vector.shape_cast %parallel_loop3A_113 : vector<1x16xf32> to vector<16xf32>
        %parallel_loop3A_115 = vector.shape_cast %parallel_loop3A_110 : vector<16xf32> to vector<1x16xf32>
        tpu.vector_store %arg9[%parallel_loop3A_111, %parallel_loop3A_112], %parallel_loop3A_115 {strides = array<i32>} : memref<128x144xf32, #tpu.memory_space<vmem>>, vector<1x16xf32>,
        %parallel_loop3A_116 = arith.index_cast %parallel_loop3A_43 : i32 to index
        %parallel_loop3A_117 = arith.constant 64 : index
        %parallel_loop3A_118 = tpu.vector_load %arg9[%parallel_loop3A_116, %parallel_loop3A_117] {strides = array<i32>} : memref<128x144xf32, #tpu.memory_space<vmem>>, vector<1x16xf32>,
        %parallel_loop3A_119 = vector.shape_cast %parallel_loop3A_118 : vector<1x16xf32> to vector<16xf32>
        %parallel_loop3A_120 = arith.mulf %parallel_loop3A_119, %parallel_loop3A_75 : vector<16xf32>
        %parallel_loop3A_121 = arith.index_cast %parallel_loop3A_43 : i32 to index
        %parallel_loop3A_122 = arith.constant 64 : index
        %parallel_loop3A_123 = tpu.vector_load %arg9[%parallel_loop3A_121, %parallel_loop3A_122] {strides = array<i32>} : memref<128x144xf32, #tpu.memory_space<vmem>>, vector<1x16xf32>,
        %parallel_loop3A_124 = vector.shape_cast %parallel_loop3A_123 : vector<1x16xf32> to vector<16xf32>
        %parallel_loop3A_125 = vector.shape_cast %parallel_loop3A_120 : vector<16xf32> to vector<1x16xf32>
        tpu.vector_store %arg9[%parallel_loop3A_121, %parallel_loop3A_122], %parallel_loop3A_125 {strides = array<i32>} : memref<128x144xf32, #tpu.memory_space<vmem>>, vector<1x16xf32>,
        %parallel_loop3A_126 = arith.index_cast %parallel_loop3A_43 : i32 to index
        %parallel_loop3A_127 = arith.constant 80 : index
        %parallel_loop3A_128 = tpu.vector_load %arg9[%parallel_loop3A_126, %parallel_loop3A_127] {strides = array<i32>} : memref<128x144xf32, #tpu.memory_space<vmem>>, vector<1x16xf32>,
        %parallel_loop3A_129 = vector.shape_cast %parallel_loop3A_128 : vector<1x16xf32> to vector<16xf32>
        %parallel_loop3A_130 = arith.mulf %parallel_loop3A_129, %parallel_loop3A_75 : vector<16xf32>
        %parallel_loop3A_131 = arith.index_cast %parallel_loop3A_43 : i32 to index
        %parallel_loop3A_132 = arith.constant 80 : index
        %parallel_loop3A_133 = tpu.vector_load %arg9[%parallel_loop3A_131, %parallel_loop3A_132] {strides = array<i32>} : memref<128x144xf32, #tpu.memory_space<vmem>>, vector<1x16xf32>,
        %parallel_loop3A_134 = vector.shape_cast %parallel_loop3A_133 : vector<1x16xf32> to vector<16xf32>
        %parallel_loop3A_135 = vector.shape_cast %parallel_loop3A_130 : vector<16xf32> to vector<1x16xf32>
        tpu.vector_store %arg9[%parallel_loop3A_131, %parallel_loop3A_132], %parallel_loop3A_135 {strides = array<i32>} : memref<128x144xf32, #tpu.memory_space<vmem>>, vector<1x16xf32>,
        %parallel_loop3A_136 = arith.index_cast %parallel_loop3A_43 : i32 to index
        %parallel_loop3A_137 = arith.constant 96 : index
        %parallel_loop3A_138 = tpu.vector_load %arg9[%parallel_loop3A_136, %parallel_loop3A_137] {strides = array<i32>} : memref<128x144xf32, #tpu.memory_space<vmem>>, vector<1x16xf32>,
        %parallel_loop3A_139 = vector.shape_cast %parallel_loop3A_138 : vector<1x16xf32> to vector<16xf32>
        %parallel_loop3A_140 = arith.mulf %parallel_loop3A_139, %parallel_loop3A_75 : vector<16xf32>
        %parallel_loop3A_141 = arith.index_cast %parallel_loop3A_43 : i32 to index
        %parallel_loop3A_142 = arith.constant 96 : index
        %parallel_loop3A_143 = tpu.vector_load %arg9[%parallel_loop3A_141, %parallel_loop3A_142] {strides = array<i32>} : memref<128x144xf32, #tpu.memory_space<vmem>>, vector<1x16xf32>,
        %parallel_loop3A_144 = vector.shape_cast %parallel_loop3A_143 : vector<1x16xf32> to vector<16xf32>
        %parallel_loop3A_145 = vector.shape_cast %parallel_loop3A_140 : vector<16xf32> to vector<1x16xf32>
        tpu.vector_store %arg9[%parallel_loop3A_141, %parallel_loop3A_142], %parallel_loop3A_145 {strides = array<i32>} : memref<128x144xf32, #tpu.memory_space<vmem>>, vector<1x16xf32>,
        %parallel_loop3A_146 = arith.index_cast %parallel_loop3A_43 : i32 to index
        %parallel_loop3A_147 = arith.constant 112 : index
        %parallel_loop3A_148 = tpu.vector_load %arg9[%parallel_loop3A_146, %parallel_loop3A_147] {strides = array<i32>} : memref<128x144xf32, #tpu.memory_space<vmem>>, vector<1x16xf32>,
        %parallel_loop3A_149 = vector.shape_cast %parallel_loop3A_148 : vector<1x16xf32> to vector<16xf32>
        %parallel_loop3A_150 = arith.mulf %parallel_loop3A_149, %parallel_loop3A_75 : vector<16xf32>
        %parallel_loop3A_151 = arith.index_cast %parallel_loop3A_43 : i32 to index
        %parallel_loop3A_152 = arith.constant 112 : index
        %parallel_loop3A_153 = tpu.vector_load %arg9[%parallel_loop3A_151, %parallel_loop3A_152] {strides = array<i32>} : memref<128x144xf32, #tpu.memory_space<vmem>>, vector<1x16xf32>,
        %parallel_loop3A_154 = vector.shape_cast %parallel_loop3A_153 : vector<1x16xf32> to vector<16xf32>
        %parallel_loop3A_155 = vector.shape_cast %parallel_loop3A_150 : vector<16xf32> to vector<1x16xf32>
        tpu.vector_store %arg9[%parallel_loop3A_151, %parallel_loop3A_152], %parallel_loop3A_155 {strides = array<i32>} : memref<128x144xf32, #tpu.memory_space<vmem>>, vector<1x16xf32>,
      } {sc.loop_unroll_factor = 8 : i64, sc.parallel_access}
      "tpu.region"() ({
        %run_scoped3A = tpu.sem_alloc : memref<!tpu.dma_semaphore, #tpu.memory_space<semaphore_mem>>
        %dma_start3A_43 = arith.constant 0 : i32
        %dma_start3A_44 = arith.constant 0 : i32
        %dma_start3A_45 = tpu.memref_slice %arg12[%dma_start3A_43, %dma_start3A_44] : memref<10240x144xf32, #tpu.memory_space<vmem_shared>> -> memref<10240x144xf32, #tpu.memory_space<vmem_shared>>
        tpu.enqueue_indirect_dma source(%arg9 : memref<128x144xf32, #tpu.memory_space<vmem>>) target(%dma_start3A_45 : memref<10240x144xf32, #tpu.memory_space<vmem_shared>>) offsets(%arg8 : memref<128xi32, #tpu.memory_space<vmem>>) semaphore(%run_scoped3A : memref<!tpu.dma_semaphore, #tpu.memory_space<semaphore_mem>>) {add = true}
        %dma_wait3A_46 = arith.constant 0 : i32
        %dma_wait3A_47 = arith.constant 0 : i32
        %dma_wait3A_48 = tpu.memref_slice %arg12[%dma_wait3A_46, %dma_wait3A_47] : memref<10240x144xf32, #tpu.memory_space<vmem_shared>> -> memref<10240x144xf32, #tpu.memory_space<vmem_shared>>
        tpu.wait_indirect_dma semaphore(%run_scoped3A : memref<!tpu.dma_semaphore, #tpu.memory_space<semaphore_mem>>) src(%arg9 : memref<128x144xf32, #tpu.memory_space<vmem>>) dst(%dma_wait3A_48 : memref<10240x144xf32, #tpu.memory_space<vmem_shared>>)
        tpu.yield
      }) : () -> ()
    }
    %scan3A_17 = arith.constant 82 : i32
    %barrier3A_18 = arith.constant 0 : index
    tpu.barrier barrier_id(%barrier3A_18)
    %scan3A_19 = arith.constant 0 : i32
    %scan3A_20 = arith.constant 0 : i32
    %scan3A_21 = arith.constant 10 : i32
    %scan3A_22 = arith.addi %scan3A_20, %scan3A_21 : i32
    %scan3A_23 = arith.constant 1 : i32
    scf.for %scan3A_25 = %scan3A_20 to %scan3A_22 step %scan3A_23  : i32 {
      %mul3A_26 = arith.constant 640 : i32
      %mul3A_27 = arith.muli %arg1, %mul3A_26 : i32
      %mul3A_28 = arith.constant 64 : i32
      %mul3A_29 = arith.muli %scan3A_25, %mul3A_28 : i32
      %add3A_30 = arith.addi %mul3A_27, %mul3A_29 : i32
      "tpu.region"() ({
        %run_scoped3A = tpu.sem_alloc : memref<!tpu.dma_semaphore, #tpu.memory_space<semaphore_mem>>
        %dma_start3A = arith.constant 0 : i32
        %dma_start3A_31 = tpu.memref_slice %arg6[%arg0, %add3A_30, %dma_start3A] : memref<2x10240x144xf32, #tpu.memory_space<hbm>> -> memref<1x64x144xf32, #tpu.memory_space<hbm>>
        %dma_start3A_32 = tpu.memref_squeeze %dma_start3A_31 : memref<1x64x144xf32, #tpu.memory_space<hbm>> -> memref<64x144xf32, #tpu.memory_space<hbm>>
        %dma_start3A_33 = arith.constant 0 : i32
        %dma_start3A_34 = tpu.memref_slice %arg12[%add3A_30, %dma_start3A_33] : memref<10240x144xf32, #tpu.memory_space<vmem_shared>> -> memref<64x144xf32, #tpu.memory_space<vmem_shared>>
        tpu.enqueue_dma source(%dma_start3A_34 : memref<64x144xf32, #tpu.memory_space<vmem_shared>>) target(%dma_start3A_32 : memref<64x144xf32, #tpu.memory_space<hbm>>) target_semaphore(%run_scoped3A : memref<!tpu.dma_semaphore, #tpu.memory_space<semaphore_mem>>)
        %dma_wait3A = arith.constant 0 : i32
        %dma_wait3A_35 = tpu.memref_slice %arg6[%arg0, %add3A_30, %dma_wait3A] : memref<2x10240x144xf32, #tpu.memory_space<hbm>> -> memref<1x64x144xf32, #tpu.memory_space<hbm>>
        %dma_wait3A_36 = tpu.memref_squeeze %dma_wait3A_35 : memref<1x64x144xf32, #tpu.memory_space<hbm>> -> memref<64x144xf32, #tpu.memory_space<hbm>>
        %dma_wait3A_37 = arith.constant 0 : i32
        %dma_wait3A_38 = tpu.memref_slice %arg12[%add3A_30, %dma_wait3A_37] : memref<10240x144xf32, #tpu.memory_space<vmem_shared>> -> memref<64x144xf32, #tpu.memory_space<vmem_shared>>
        tpu.wait_dma2 semaphore(%run_scoped3A : memref<!tpu.dma_semaphore, #tpu.memory_space<semaphore_mem>>) src(%dma_wait3A_38 : memref<64x144xf32, #tpu.memory_space<vmem_shared>>) dst(%dma_wait3A_36 : memref<64x144xf32, #tpu.memory_space<hbm>>)
        tpu.yield
      }) : () -> ()
    }
    %scan3A_24 = arith.constant 10 : i32
    return
  }
}

module attributes {stable_mosaic.version = 14 : i64} {
  func.func @_pre_body(%arg0: i32, %arg1: memref<512x128xf32, #tpu.memory_space<vmem>>, %arg2: memref<128x128xf32, #tpu.memory_space<vmem>>, %arg3: memref<128x4xf32, #tpu.memory_space<vmem>>, %arg4: memref<128x4xf32, #tpu.memory_space<vmem>>, %arg5: memref<128x128xf32, #tpu.memory_space<vmem>>, %arg6: memref<1x128xf32, #tpu.memory_space<vmem>>, %arg7: memref<512x144xf32, #tpu.memory_space<vmem>>, %arg8: memref<512x16xf32, #tpu.memory_space<vmem>>, %arg9: memref<512x128xf32, #tpu.memory_space<vmem>>) attributes {dimension_semantics = [#tpu.dimension_semantics<arbitrary>], iteration_bounds = array<i64: 20>, scalar_prefetch = 0 : i64, scratch_operands = 0 : i64, tpu.core_type = #tpu.core_type<tc>, window_params = [{transform_indices = @transform_0, window_bounds = array<i64: 512, 128>}, {pipeline_mode = #tpu.pipeline_mode<synchronous>, transform_indices = @transform_1, window_bounds = array<i64: 128, 128>}, {pipeline_mode = #tpu.pipeline_mode<synchronous>, transform_indices = @transform_2, window_bounds = array<i64: 128, 4>}, {pipeline_mode = #tpu.pipeline_mode<synchronous>, transform_indices = @transform_3, window_bounds = array<i64: 128, 4>}, {pipeline_mode = #tpu.pipeline_mode<synchronous>, transform_indices = @transform_4, window_bounds = array<i64: 128, 128>}, {pipeline_mode = #tpu.pipeline_mode<synchronous>, transform_indices = @transform_5, window_bounds = array<i64: 1, 128>}, {transform_indices = @transform_6, window_bounds = array<i64: 512, 144>}, {transform_indices = @transform_7, window_bounds = array<i64: 512, 16>}, {transform_indices = @transform_8, window_bounds = array<i64: 512, 128>}]} {
    %get3A = arith.constant 0 : index
    %get3A_0 = arith.constant 0 : index
    %get3A_1 = vector.load %arg1[%get3A, %get3A_0] : memref<512x128xf32, #tpu.memory_space<vmem>>, vector<512x128xf32>
    %get3A_2 = arith.constant 0 : index
    %get3A_3 = arith.constant 0 : index
    %get3A_4 = vector.load %arg2[%get3A_2, %get3A_3] : memref<128x128xf32, #tpu.memory_space<vmem>>, vector<128x128xf32>
    %dot_general3A = arith.constant dense<0.000000e+00> : vector<512x128xf32>
    %dot_general3A_5 = tpu.matmul %get3A_1, %get3A_4, %dot_general3A {dimension_numbers = #tpu.dot_dimension_numbers<[1], [0], [0], [1], [0, 0, 1, 1], [], []>, transpose_lhs_hint = false} : vector<512x128xf32>, vector<128x128xf32>, vector<512x128xf32> -> vector<512x128xf32>
    %get3A_6 = arith.constant 0 : index
    %get3A_7 = arith.constant 0 : index
    %get3A_8 = vector.load %arg3[%get3A_6, %get3A_7] : memref<128x4xf32, #tpu.memory_space<vmem>>, vector<128x4xf32>
    %dot_general3A_9 = arith.constant dense<0.000000e+00> : vector<512x4xf32>
    %dot_general3A_10 = tpu.matmul %dot_general3A_5, %get3A_8, %dot_general3A_9 {dimension_numbers = #tpu.dot_dimension_numbers<[1], [0], [0], [1], [0, 0, 1, 1], [], []>, transpose_lhs_hint = false} : vector<512x128xf32>, vector<128x4xf32>, vector<512x4xf32> -> vector<512x4xf32>
    %get3A_11 = arith.constant 0 : index
    %get3A_12 = arith.constant 0 : index
    %get3A_13 = vector.load %arg4[%get3A_11, %get3A_12] : memref<128x4xf32, #tpu.memory_space<vmem>>, vector<128x4xf32>
    %dot_general3A_14 = arith.constant dense<0.000000e+00> : vector<512x4xf32>
    %dot_general3A_15 = tpu.matmul %dot_general3A_5, %get3A_13, %dot_general3A_14 {dimension_numbers = #tpu.dot_dimension_numbers<[1], [0], [0], [1], [0, 0, 1, 1], [], []>, transpose_lhs_hint = false} : vector<512x128xf32>, vector<128x4xf32>, vector<512x4xf32> -> vector<512x4xf32>
    %broadcast_in_dim3A = arith.constant 0.000000e+00 : f32
    %broadcast_in_dim3A_16 = vector.broadcast %broadcast_in_dim3A : f32 to vector<512x12xf32>
    %concatenate3A = tpu.concatenate %dot_general3A_5, %dot_general3A_10, %broadcast_in_dim3A_16 in 1 : vector<512x128xf32>, vector<512x4xf32>, vector<512x12xf32> -> vector<512x144xf32>
    %swap3A = arith.constant 0 : index
    %swap3A_17 = arith.constant 0 : index
    %swap3A_18 = vector.load %arg7[%swap3A, %swap3A_17] : memref<512x144xf32, #tpu.memory_space<vmem>>, vector<512x144xf32>
    tpu.vector_store %arg7[%swap3A, %swap3A_17], %concatenate3A {strides = array<i32>} : memref<512x144xf32, #tpu.memory_space<vmem>>, vector<512x144xf32>,
    %concatenate3A_19 = tpu.concatenate %dot_general3A_15, %broadcast_in_dim3A_16 in 1 : vector<512x4xf32>, vector<512x12xf32> -> vector<512x16xf32>
    %swap3A_20 = arith.constant 0 : index
    %swap3A_21 = arith.constant 0 : index
    %swap3A_22 = vector.load %arg8[%swap3A_20, %swap3A_21] : memref<512x16xf32, #tpu.memory_space<vmem>>, vector<512x16xf32>
    tpu.vector_store %arg8[%swap3A_20, %swap3A_21], %concatenate3A_19 {strides = array<i32>} : memref<512x16xf32, #tpu.memory_space<vmem>>, vector<512x16xf32>,
    %get3A_23 = arith.constant 0 : index
    %get3A_24 = arith.constant 0 : index
    %get3A_25 = vector.load %arg5[%get3A_23, %get3A_24] : memref<128x128xf32, #tpu.memory_space<vmem>>, vector<128x128xf32>
    %dot_general3A_26 = arith.constant dense<0.000000e+00> : vector<512x128xf32>
    %dot_general3A_27 = tpu.matmul %get3A_1, %get3A_25, %dot_general3A_26 {dimension_numbers = #tpu.dot_dimension_numbers<[1], [0], [0], [1], [0, 0, 1, 1], [], []>, transpose_lhs_hint = false} : vector<512x128xf32>, vector<128x128xf32>, vector<512x128xf32> -> vector<512x128xf32>
    %get3A_28 = arith.constant 0 : index
    %get3A_29 = arith.constant 0 : index
    %get3A_30 = vector.load %arg6[%get3A_28, %get3A_29] : memref<1x128xf32, #tpu.memory_space<vmem>>, vector<1x128xf32>
    %add3A = vector.broadcast %get3A_30 : vector<1x128xf32> to vector<512x128xf32>
    %add3A_31 = arith.addf %dot_general3A_27, %add3A : vector<512x128xf32>
    %swap3A_32 = arith.constant 0 : index
    %swap3A_33 = arith.constant 0 : index
    %swap3A_34 = vector.load %arg9[%swap3A_32, %swap3A_33] : memref<512x128xf32, #tpu.memory_space<vmem>>, vector<512x128xf32>
    tpu.vector_store %arg9[%swap3A_32, %swap3A_33], %add3A_31 {strides = array<i32>} : memref<512x128xf32, #tpu.memory_space<vmem>>, vector<512x128xf32>,
    return
  }
  func.func @transform_0(%arg0: i32) -> (i32, i32) {
    %c0_i32 = arith.constant 0 : i32
    %c0_i32_0 = arith.constant 0 : i32
    return %arg0, %c0_i32 : i32, i32
  }
  func.func @transform_1(%arg0: i32) -> (i32, i32) {
    %c0_i32 = arith.constant 0 : i32
    %c0_i32_0 = arith.constant 0 : i32
    %c0_i32_1 = arith.constant 0 : i32
    return %c0_i32, %c0_i32_0 : i32, i32
  }
  func.func @transform_2(%arg0: i32) -> (i32, i32) {
    %c0_i32 = arith.constant 0 : i32
    %c0_i32_0 = arith.constant 0 : i32
    %c0_i32_1 = arith.constant 0 : i32
    return %c0_i32, %c0_i32_0 : i32, i32
  }
  func.func @transform_3(%arg0: i32) -> (i32, i32) {
    %c0_i32 = arith.constant 0 : i32
    %c0_i32_0 = arith.constant 0 : i32
    %c0_i32_1 = arith.constant 0 : i32
    return %c0_i32, %c0_i32_0 : i32, i32
  }
  func.func @transform_4(%arg0: i32) -> (i32, i32) {
    %c0_i32 = arith.constant 0 : i32
    %c0_i32_0 = arith.constant 0 : i32
    %c0_i32_1 = arith.constant 0 : i32
    return %c0_i32, %c0_i32_0 : i32, i32
  }
  func.func @transform_5(%arg0: i32) -> (i32, i32) {
    %c0_i32 = arith.constant 0 : i32
    %c0_i32_0 = arith.constant 0 : i32
    %c0_i32_1 = arith.constant 0 : i32
    return %c0_i32, %c0_i32_0 : i32, i32
  }
  func.func @transform_6(%arg0: i32) -> (i32, i32) {
    %c0_i32 = arith.constant 0 : i32
    %c0_i32_0 = arith.constant 0 : i32
    return %arg0, %c0_i32 : i32, i32
  }
  func.func @transform_7(%arg0: i32) -> (i32, i32) {
    %c0_i32 = arith.constant 0 : i32
    %c0_i32_0 = arith.constant 0 : i32
    return %arg0, %c0_i32 : i32, i32
  }
  func.func @transform_8(%arg0: i32) -> (i32, i32) {
    %c0_i32 = arith.constant 0 : i32
    %c0_i32_0 = arith.constant 0 : i32
    return %arg0, %c0_i32 : i32, i32
  }
}

module attributes {stable_mosaic.version = 14 : i64} {
  func.func @_mid_body(%arg0: i32, %arg1: memref<2x512x144xf32, #tpu.memory_space<vmem>>, %arg2: memref<1x128xf32, #tpu.memory_space<vmem>>, %arg3: memref<128x128xf32, #tpu.memory_space<vmem>>, %arg4: memref<128x1xf32, #tpu.memory_space<vmem>>, %arg5: memref<128x1xf32, #tpu.memory_space<vmem>>, %arg6: memref<512x144xf32, #tpu.memory_space<vmem>>, %arg7: memref<512x16xf32, #tpu.memory_space<vmem>>) attributes {dimension_semantics = [#tpu.dimension_semantics<arbitrary>], iteration_bounds = array<i64: 20>, scalar_prefetch = 0 : i64, scratch_operands = 0 : i64, tpu.core_type = #tpu.core_type<tc>, window_params = [{transform_indices = @transform_0, window_bounds = array<i64: 2, 512, 144>}, {pipeline_mode = #tpu.pipeline_mode<synchronous>, transform_indices = @transform_1, window_bounds = array<i64: 1, 128>}, {pipeline_mode = #tpu.pipeline_mode<synchronous>, transform_indices = @transform_2, window_bounds = array<i64: 128, 128>}, {pipeline_mode = #tpu.pipeline_mode<synchronous>, transform_indices = @transform_3, window_bounds = array<i64: 128, 1>}, {pipeline_mode = #tpu.pipeline_mode<synchronous>, transform_indices = @transform_4, window_bounds = array<i64: 128, 1>}, {transform_indices = @transform_5, window_bounds = array<i64: 512, 144>}, {transform_indices = @transform_6, window_bounds = array<i64: 512, 16>}]} {
    %get3A = arith.constant 0 : index
    %get3A_0 = arith.constant 0 : index
    %get3A_1 = arith.constant 0 : index
    %get3A_2 = vector.load %arg1[%get3A, %get3A_0, %get3A_1] : memref<2x512x144xf32, #tpu.memory_space<vmem>>, vector<1x512x128xf32>
    %get3A_3 = vector.shape_cast %get3A_2 : vector<1x512x128xf32> to vector<512x128xf32>
    %get3A_4 = arith.constant 1 : index
    %get3A_5 = arith.constant 0 : index
    %get3A_6 = arith.constant 0 : index
    %get3A_7 = vector.load %arg1[%get3A_4, %get3A_5, %get3A_6] : memref<2x512x144xf32, #tpu.memory_space<vmem>>, vector<1x512x128xf32>
    %get3A_8 = vector.shape_cast %get3A_7 : vector<1x512x128xf32> to vector<512x128xf32>
    %add3A = arith.addf %get3A_3, %get3A_8 : vector<512x128xf32>
    %get3A_9 = arith.constant 0 : index
    %get3A_10 = arith.constant 0 : index
    %get3A_11 = arith.constant 128 : index
    %get3A_12 = vector.load %arg1[%get3A_9, %get3A_10, %get3A_11] : memref<2x512x144xf32, #tpu.memory_space<vmem>>, vector<1x512x4xf32>
    %get3A_13 = vector.shape_cast %get3A_12 : vector<1x512x4xf32> to vector<512x4xf32>
    %get3A_14 = arith.constant 1 : index
    %get3A_15 = arith.constant 0 : index
    %get3A_16 = arith.constant 128 : index
    %get3A_17 = vector.load %arg1[%get3A_14, %get3A_15, %get3A_16] : memref<2x512x144xf32, #tpu.memory_space<vmem>>, vector<1x512x4xf32>
    %get3A_18 = vector.shape_cast %get3A_17 : vector<1x512x4xf32> to vector<512x4xf32>
    %add3A_19 = arith.addf %get3A_13, %get3A_18 : vector<512x4xf32>
    %broadcast_in_dim3A = vector.shape_cast %add3A_19 : vector<512x4xf32> to vector<512x4x1xf32>
    %broadcast_in_dim3A_20 = vector.shape_cast %broadcast_in_dim3A : vector<512x4x1xf32> to vector<512x4x1xf32>
    %broadcast_in_dim3A_21 = vector.broadcast %broadcast_in_dim3A_20 : vector<512x4x1xf32> to vector<512x4x32xf32>
    %reshape3A = vector.shape_cast %broadcast_in_dim3A_21 : vector<512x4x32xf32> to vector<512x128xf32>
    %add3A_22 = arith.constant 1.000000e-16 : f32
    %add3A_23 = vector.broadcast %add3A_22 : f32 to vector<512x128xf32>
    %add3A_24 = arith.addf %reshape3A, %add3A_23 : vector<512x128xf32>
    %div3A = arith.divf %add3A, %add3A_24 : vector<512x128xf32>
    %get3A_25 = arith.constant 0 : index
    %get3A_26 = arith.constant 0 : index
    %get3A_27 = vector.load %arg2[%get3A_25, %get3A_26] : memref<1x128xf32, #tpu.memory_space<vmem>>, vector<1x128xf32>
    %add3A_28 = vector.broadcast %get3A_27 : vector<1x128xf32> to vector<512x128xf32>
    %add3A_29 = arith.addf %div3A, %add3A_28 : vector<512x128xf32>
    %get3A_30 = arith.constant 0 : index
    %get3A_31 = arith.constant 0 : index
    %get3A_32 = vector.load %arg3[%get3A_30, %get3A_31] : memref<128x128xf32, #tpu.memory_space<vmem>>, vector<128x128xf32>
    %dot_general3A = arith.constant dense<0.000000e+00> : vector<512x128xf32>
    %dot_general3A_33 = tpu.matmul %add3A_29, %get3A_32, %dot_general3A {dimension_numbers = #tpu.dot_dimension_numbers<[1], [0], [0], [1], [0, 0, 1, 1], [], []>, transpose_lhs_hint = false} : vector<512x128xf32>, vector<128x128xf32>, vector<512x128xf32> -> vector<512x128xf32>
    %get3A_34 = arith.constant 0 : index
    %get3A_35 = arith.constant 0 : index
    %get3A_36 = vector.load %arg4[%get3A_34, %get3A_35] : memref<128x1xf32, #tpu.memory_space<vmem>>, vector<128x1xf32>
    %dot_general3A_37 = arith.constant dense<0.000000e+00> : vector<512x1xf32>
    %dot_general3A_38 = tpu.matmul %dot_general3A_33, %get3A_36, %dot_general3A_37 {dimension_numbers = #tpu.dot_dimension_numbers<[1], [0], [0], [1], [0, 0, 1, 1], [], []>, transpose_lhs_hint = false} : vector<512x128xf32>, vector<128x1xf32>, vector<512x1xf32> -> vector<512x1xf32>
    %get3A_39 = arith.constant 0 : index
    %get3A_40 = arith.constant 0 : index
    %get3A_41 = vector.load %arg5[%get3A_39, %get3A_40] : memref<128x1xf32, #tpu.memory_space<vmem>>, vector<128x1xf32>
    %dot_general3A_42 = arith.constant dense<0.000000e+00> : vector<512x1xf32>
    %dot_general3A_43 = tpu.matmul %dot_general3A_33, %get3A_41, %dot_general3A_42 {dimension_numbers = #tpu.dot_dimension_numbers<[1], [0], [0], [1], [0, 0, 1, 1], [], []>, transpose_lhs_hint = false} : vector<512x128xf32>, vector<128x1xf32>, vector<512x1xf32> -> vector<512x1xf32>
    %broadcast_in_dim3A_44 = arith.constant 0.000000e+00 : f32
    %broadcast_in_dim3A_45 = vector.broadcast %broadcast_in_dim3A_44 : f32 to vector<512x15xf32>
    %concatenate3A = tpu.concatenate %dot_general3A_33, %dot_general3A_38, %broadcast_in_dim3A_45 in 1 : vector<512x128xf32>, vector<512x1xf32>, vector<512x15xf32> -> vector<512x144xf32>
    %swap3A = arith.constant 0 : index
    %swap3A_46 = arith.constant 0 : index
    %swap3A_47 = vector.load %arg6[%swap3A, %swap3A_46] : memref<512x144xf32, #tpu.memory_space<vmem>>, vector<512x144xf32>
    tpu.vector_store %arg6[%swap3A, %swap3A_46], %concatenate3A {strides = array<i32>} : memref<512x144xf32, #tpu.memory_space<vmem>>, vector<512x144xf32>,
    %concatenate3A_48 = tpu.concatenate %dot_general3A_43, %broadcast_in_dim3A_45 in 1 : vector<512x1xf32>, vector<512x15xf32> -> vector<512x16xf32>
    %swap3A_49 = arith.constant 0 : index
    %swap3A_50 = arith.constant 0 : index
    %swap3A_51 = vector.load %arg7[%swap3A_49, %swap3A_50] : memref<512x16xf32, #tpu.memory_space<vmem>>, vector<512x16xf32>
    tpu.vector_store %arg7[%swap3A_49, %swap3A_50], %concatenate3A_48 {strides = array<i32>} : memref<512x16xf32, #tpu.memory_space<vmem>>, vector<512x16xf32>,
    return
  }
  func.func @transform_0(%arg0: i32) -> (i32, i32, i32) {
    %c0_i32 = arith.constant 0 : i32
    %c0_i32_0 = arith.constant 0 : i32
    %c0_i32_1 = arith.constant 0 : i32
    return %c0_i32, %arg0, %c0_i32_0 : i32, i32, i32
  }
  func.func @transform_1(%arg0: i32) -> (i32, i32) {
    %c0_i32 = arith.constant 0 : i32
    %c0_i32_0 = arith.constant 0 : i32
    %c0_i32_1 = arith.constant 0 : i32
    return %c0_i32, %c0_i32_0 : i32, i32
  }
  func.func @transform_2(%arg0: i32) -> (i32, i32) {
    %c0_i32 = arith.constant 0 : i32
    %c0_i32_0 = arith.constant 0 : i32
    %c0_i32_1 = arith.constant 0 : i32
    return %c0_i32, %c0_i32_0 : i32, i32
  }
  func.func @transform_3(%arg0: i32) -> (i32, i32) {
    %c0_i32 = arith.constant 0 : i32
    %c0_i32_0 = arith.constant 0 : i32
    %c0_i32_1 = arith.constant 0 : i32
    return %c0_i32, %c0_i32_0 : i32, i32
  }
  func.func @transform_4(%arg0: i32) -> (i32, i32) {
    %c0_i32 = arith.constant 0 : i32
    %c0_i32_0 = arith.constant 0 : i32
    %c0_i32_1 = arith.constant 0 : i32
    return %c0_i32, %c0_i32_0 : i32, i32
  }
  func.func @transform_5(%arg0: i32) -> (i32, i32) {
    %c0_i32 = arith.constant 0 : i32
    %c0_i32_0 = arith.constant 0 : i32
    return %arg0, %c0_i32 : i32, i32
  }
  func.func @transform_6(%arg0: i32) -> (i32, i32) {
    %c0_i32 = arith.constant 0 : i32
    %c0_i32_0 = arith.constant 0 : i32
    return %arg0, %c0_i32 : i32, i32
  }
}

module attributes {stable_mosaic.version = 14 : i64} {
  func.func @_fin_body(%arg0: i32, %arg1: memref<2x512x144xf32, #tpu.memory_space<vmem>>, %arg2: memref<512x128xf32, #tpu.memory_space<vmem>>, %arg3: memref<1x128xf32, #tpu.memory_space<vmem>>, %arg4: memref<512x128xf32, #tpu.memory_space<vmem>>) attributes {dimension_semantics = [#tpu.dimension_semantics<arbitrary>], iteration_bounds = array<i64: 20>, scalar_prefetch = 0 : i64, scratch_operands = 0 : i64, tpu.core_type = #tpu.core_type<tc>, window_params = [{transform_indices = @transform_0, window_bounds = array<i64: 2, 512, 144>}, {transform_indices = @transform_1, window_bounds = array<i64: 512, 128>}, {pipeline_mode = #tpu.pipeline_mode<synchronous>, transform_indices = @transform_2, window_bounds = array<i64: 1, 128>}, {transform_indices = @transform_3, window_bounds = array<i64: 512, 128>}]} {
    %get3A = arith.constant 0 : index
    %get3A_0 = arith.constant 0 : index
    %get3A_1 = arith.constant 0 : index
    %get3A_2 = vector.load %arg1[%get3A, %get3A_0, %get3A_1] : memref<2x512x144xf32, #tpu.memory_space<vmem>>, vector<1x512x128xf32>
    %get3A_3 = vector.shape_cast %get3A_2 : vector<1x512x128xf32> to vector<512x128xf32>
    %get3A_4 = arith.constant 1 : index
    %get3A_5 = arith.constant 0 : index
    %get3A_6 = arith.constant 0 : index
    %get3A_7 = vector.load %arg1[%get3A_4, %get3A_5, %get3A_6] : memref<2x512x144xf32, #tpu.memory_space<vmem>>, vector<1x512x128xf32>
    %get3A_8 = vector.shape_cast %get3A_7 : vector<1x512x128xf32> to vector<512x128xf32>
    %add3A = arith.addf %get3A_3, %get3A_8 : vector<512x128xf32>
    %get3A_9 = arith.constant 0 : index
    %get3A_10 = arith.constant 0 : index
    %get3A_11 = arith.constant 128 : index
    %get3A_12 = vector.load %arg1[%get3A_9, %get3A_10, %get3A_11] : memref<2x512x144xf32, #tpu.memory_space<vmem>>, vector<1x512x1xf32>
    %get3A_13 = vector.shape_cast %get3A_12 : vector<1x512x1xf32> to vector<512x1xf32>
    %get3A_14 = arith.constant 1 : index
    %get3A_15 = arith.constant 0 : index
    %get3A_16 = arith.constant 128 : index
    %get3A_17 = vector.load %arg1[%get3A_14, %get3A_15, %get3A_16] : memref<2x512x144xf32, #tpu.memory_space<vmem>>, vector<1x512x1xf32>
    %get3A_18 = vector.shape_cast %get3A_17 : vector<1x512x1xf32> to vector<512x1xf32>
    %add3A_19 = arith.addf %get3A_13, %get3A_18 : vector<512x1xf32>
    %add3A_20 = arith.constant 1.000000e-16 : f32
    %add3A_21 = vector.broadcast %add3A_20 : f32 to vector<512x1xf32>
    %add3A_22 = arith.addf %add3A_19, %add3A_21 : vector<512x1xf32>
    %div3A = vector.broadcast %add3A_22 : vector<512x1xf32> to vector<512x128xf32>
    %div3A_23 = arith.divf %add3A, %div3A : vector<512x128xf32>
    %get3A_24 = arith.constant 0 : index
    %get3A_25 = arith.constant 0 : index
    %get3A_26 = vector.load %arg3[%get3A_24, %get3A_25] : memref<1x128xf32, #tpu.memory_space<vmem>>, vector<1x128xf32>
    %add3A_27 = vector.broadcast %get3A_26 : vector<1x128xf32> to vector<512x128xf32>
    %add3A_28 = arith.addf %div3A_23, %add3A_27 : vector<512x128xf32>
    %get3A_29 = arith.constant 0 : index
    %get3A_30 = arith.constant 0 : index
    %get3A_31 = vector.load %arg2[%get3A_29, %get3A_30] : memref<512x128xf32, #tpu.memory_space<vmem>>, vector<512x128xf32>
    %add3A_32 = arith.addf %add3A_28, %get3A_31 : vector<512x128xf32>
    %reduce_max3A = arith.constant dense<0xFF800000> : vector<512xf32>
    %reduce_max3A_33 = vector.multi_reduction <maximumf>, %add3A_32, %reduce_max3A [1] : vector<512x128xf32> to vector<512xf32>
    %broadcast_in_dim3A = vector.shape_cast %reduce_max3A_33 : vector<512xf32> to vector<512x1xf32>
    %sub3A = vector.broadcast %broadcast_in_dim3A : vector<512x1xf32> to vector<512x128xf32>
    %sub3A_34 = arith.subf %add3A_32, %sub3A : vector<512x128xf32>
    %exp3A = math.exp %sub3A_34 : vector<512x128xf32>
    %reduce_sum3A = arith.constant dense<0.000000e+00> : vector<512xf32>
    %reduce_sum3A_35 = vector.multi_reduction <add>, %exp3A, %reduce_sum3A [1] : vector<512x128xf32> to vector<512xf32>
    %broadcast_in_dim3A_36 = vector.shape_cast %reduce_sum3A_35 : vector<512xf32> to vector<512x1xf32>
    %log3A = math.log %broadcast_in_dim3A_36 : vector<512x1xf32>
    %sub3A_37 = vector.broadcast %log3A : vector<512x1xf32> to vector<512x128xf32>
    %sub3A_38 = arith.subf %sub3A_34, %sub3A_37 : vector<512x128xf32>
    %swap3A = arith.constant 0 : index
    %swap3A_39 = arith.constant 0 : index
    %swap3A_40 = vector.load %arg4[%swap3A, %swap3A_39] : memref<512x128xf32, #tpu.memory_space<vmem>>, vector<512x128xf32>
    tpu.vector_store %arg4[%swap3A, %swap3A_39], %sub3A_38 {strides = array<i32>} : memref<512x128xf32, #tpu.memory_space<vmem>>, vector<512x128xf32>,
    return
  }
  func.func @transform_0(%arg0: i32) -> (i32, i32, i32) {
    %c0_i32 = arith.constant 0 : i32
    %c0_i32_0 = arith.constant 0 : i32
    %c0_i32_1 = arith.constant 0 : i32
    return %c0_i32, %arg0, %c0_i32_0 : i32, i32, i32
  }
  func.func @transform_1(%arg0: i32) -> (i32, i32) {
    %c0_i32 = arith.constant 0 : i32
    %c0_i32_0 = arith.constant 0 : i32
    return %arg0, %c0_i32 : i32, i32
  }
  func.func @transform_2(%arg0: i32) -> (i32, i32) {
    %c0_i32 = arith.constant 0 : i32
    %c0_i32_0 = arith.constant 0 : i32
    %c0_i32_1 = arith.constant 0 : i32
    return %c0_i32, %c0_i32_0 : i32, i32
  }
  func.func @transform_3(%arg0: i32) -> (i32, i32) {
    %c0_i32 = arith.constant 0 : i32
    %c0_i32_0 = arith.constant 0 : i32
    return %arg0, %c0_i32 : i32, i32
  }
}

</mosaic_0001>

<sc_bundles>
// kernel: kernel.10.cloned.1.call-start
scs
__scs_entry_jumppad:
0x0: {  	(pc) =	sbr.rel $0x88, $3  }
0x1: {  	(tag) =	ssettag $0x0;
	lr =	simm.s32 $0x1  }
0x2: {  	[smem:$0x3F95] =	sst lr;
	_ =	strace $0xD0000000  }
0x3: {  	_ = 	snop  }
0x4: {  	_ = 	snop  }
0x5: {  	_ = 	snop  }
0x6: {  	_ = 	snop  }
0x7: {  	_ = 	snop  }
__scs_overlays_trampoline_lowered:
0x8: {  	[smem:$0x3FA4] =	sst s0  }
0x9: {  	[smem:$0x3FA5] =	sst s1  }
0xa: {  	[smem:$0x3FA6] =	sst s2  }
0xb: {  	[smem:$0x3FA7] =	sst s3  }
0xc: {  	[smem:$0x3FA8] =	sst s4  }
0xd: {  	[smem:$0x3FA9] =	sst s5  }
0xe: {  	[smem:$0x3FAA] =	sst s6  }
0xf: {  	[smem:$0x3FAB] =	sst s7  }
0x10: {  	[smem:$0x3FAC] =	sst s8  }
0x11: {  	[smem:$0x3FAD] =	sst s9;
	s0 =	simm.s32 @!p0 $0x0  }
0x12: {  	s1 =	sld [smem:$0x3F93];
	s0 =	simm.s32 @p0 $0x1  }
0x13: {  	[smem:$0x3FAE] =	sst s0;
	s0 =	simm.s32 @!p1 $0x0  }
0x14: {  	s2 =	sld [smem:$0x3F92];
	s0 =	simm.s32 @p1 $0x1  }
0x15: {  	[smem:$0x3FAF] =	sst s0;
	s0 =	simm.s32 @!p2 $0x0  }
0x16: {  	s3 =	sld [smem:$0x3FDB];
	s0 =	simm.s32 @p2 $0x1  }
0x17: {  	s4 =	simm.s32 $0x1BF5;
	[smem:$0x3FB1] =	sst s0  }
0x18: {  	s0 =	sld [smem:$0x3F94];
	_ =	swait.ge [sflag:s4], $0x0  }
0x19: {  	s7 =	sld [smem:$0x3F95]  }
0x1a: {  	s8 =	sadd.s32 $0xFFFFE003, lr  }
0x1b: {  	s9 =	sadd.s32 $0xFFFFFEF7, lr;
	s5 =	simm.s32 $0xFFFFFFFF;
	p2 =	slt.u32 s8, $0xFFFFF086  }
0x1c: {  	p1 =	slt.u32 s9, $0xF7A;
	s5 =	simm.s32 @!p2 $0x0  }
0x1d: {  	s5 =	simm.s32 @p1 $0x1;
	p0 =	seq.s32 s7, s2  }
0x1e: {  	s7 =	smul.u32 @!p0 $0xF7A, s2;
	p2 =	seq.s32 @!p0 s5, $0x0  }
0x1f: {  	s9 =	smul.u32 $0xF7A, s1;
	s8 =	simm.s32 @!p0 $0x1BF5;
	p2 =	por !p2, p0  }
0x20: {  	[sflag:s8] =	ssyncset.s32 @!p0 $0xFFFFF086;
	s6 =	sadd.s32 @!p0 s3, s7;
	s7 =	simm.s32 @!p0 $0x108  }
0x21: {  	s3 =	sadd.s32 s3, s9;
	s6 =	sadd.s32 @!p0 $0x88, s6;
	s7 =	simm.s32 @p2 $0x1082  }
0x22: {  	[simem:s7], [sflag:s8] =	dma.local @!p0 [hbm:s6], $0xF7A  }
0x23: {  	s9 =	sor.u32 $0xD0000000, s2;
	s6 =	simm.s32 $0x108;
	_ =	swait.ge @!p0 [sflag:s8], $0x0  }
0x24: {  	s3 =	sadd.s32 $0x88, s3;
	s6 =	simm.s32 @!p1 $0x1082;
	[sflag:s4] =	ssyncset.s32 $0xFFFFF086  }
0x25: {  	[simem:s6], [sflag:s4] =	dma.local [hbm:s3], $0xF7A  }
0x26: {  	[smem:$0x3F95] =	sst s1;
	(tag) =	ssettag s2;
	_ =	strace s9  }
0x27: {  	s1 =	sld [smem:$0x3FA5]  }
0x28: {  	s2 =	sld [smem:$0x3FA6]  }
0x29: {  	s4 =	sld [smem:$0x3FA8]  }
0x2a: {  	p0 =	seq.s32 s5, $0x0;
	s5 =	sld [smem:$0x3FA9]  }
0x2b: {  	s6 =	sld [smem:$0x3FAA]  }
0x2c: {  	s7 =	sld [smem:$0x3FAB]  }
0x2d: {  	s3 =	simm.s32 $0x108;
	s8 =	sld [smem:$0x3FAC]  }
0x2e: {  	s3 =	simm.s32 @!p0 $0x1082;
	s9 =	sld [smem:$0x3FAD]  }
0x2f: {  	lr =	sadd.s32 s0, s3;
	s0 =	sld [smem:$0x3FA4]  }
0x30: {  	s3 =	sld [smem:$0x3FA7]  }
0x31: {  	[smem:$0x3FB0] =	sst s10  }
0x32: {  	s10 =	sld [smem:$0x3FAE];
	_ =	sdelay $0x3  }
0x33: {  	p0 =	seq.s32 s10, $0x1;
	s10 =	sld [smem:$0x3FB0];
	_ =	sdelay $0x3  }
0x34: {  	[smem:$0x3FB0] =	sst s10  }
0x35: {  	s10 =	sld [smem:$0x3FAF];
	_ =	sdelay $0x3  }
0x36: {  	p1 =	seq.s32 s10, $0x1;
	s10 =	sld [smem:$0x3FB0];
	_ =	sdelay $0x3  }
0x37: {  	[smem:$0x3FB0] =	sst s10  }
0x38: {  	s10 =	sld [smem:$0x3FB1]  }
0x39: {  	_ = 	snop;
	(pc) =	sbr.ind lr, $3  }
0x3a: {  	_ = 	snop  }
0x3b: {  	_ = 	snop  }
0x3c: {  	p2 =	seq.s32 s10, $0x1;
	s10 =	sld [smem:$0x3FB0]  }
0x3d: {  	_ =	shalt  }
0x3e: {  	_ =	shalt  }
0x3f: {  	_ =	shalt  }
0x40: {  	_ =	shalt  }
0x41: {  	_ =	shalt  }
0x42: {  	_ =	shalt  }
0x43: {  	_ =	shalt  }
0x44: {  	_ =	shalt  }
0x45: {  	_ =	shalt  }
0x46: {  	_ =	shalt  }
0x47: {  	_ =	shalt  }
0x48: {  	_ =	shalt  }
0x49: {  	_ =	shalt  }
0x4a: {  	_ =	shalt  }
0x4b: {  	_ =	shalt  }
0x4c: {  	_ =	shalt  }
0x4d: {  	_ =	shalt  }
0x4e: {  	_ =	shalt  }
0x4f: {  	_ =	shalt  }
0x50: {  	_ =	shalt  }
0x51: {  	_ =	shalt  }
0x52: {  	_ =	shalt  }
0x53: {  	_ =	shalt  }
0x54: {  	_ =	shalt  }
0x55: {  	_ =	shalt  }
0x56: {  	_ =	shalt  }
0x57: {  	_ =	shalt  }
0x58: {  	_ =	shalt  }
0x59: {  	_ =	shalt  }
0x5a: {  	_ =	shalt  }
0x5b: {  	_ =	shalt  }
0x5c: {  	_ =	shalt  }
0x5d: {  	_ =	shalt  }
0x5e: {  	_ =	shalt  }
0x5f: {  	_ =	shalt  }
0x60: {  	_ =	shalt  }
0x61: {  	_ =	shalt  }
0x62: {  	_ =	shalt  }
0x63: {  	_ =	shalt  }
0x64: {  	_ =	shalt  }
0x65: {  	_ =	shalt  }
0x66: {  	_ =	shalt  }
0x67: {  	_ =	shalt  }
0x68: {  	_ =	shalt  }
0x69: {  	_ =	shalt  }
0x6a: {  	_ =	shalt  }
0x6b: {  	_ =	shalt  }
0x6c: {  	_ =	shalt  }
0x6d: {  	_ =	shalt  }
0x6e: {  	_ =	shalt  }
0x6f: {  	_ =	shalt  }
0x70: {  	_ =	shalt  }
0x71: {  	_ =	shalt  }
0x72: {  	_ =	shalt  }
0x73: {  	_ =	shalt  }
0x74: {  	_ =	shalt  }
0x75: {  	_ =	shalt  }
0x76: {  	_ =	shalt  }
0x77: {  	_ =	shalt  }
0x78: {  	_ =	shalt  }
0x79: {  	_ =	shalt  }
0x7a: {  	_ =	shalt  }
0x7b: {  	_ =	shalt  }
0x7c: {  	_ =	shalt  }
0x7d: {  	_ =	shalt  }
0x7e: {  	_ =	shalt  }
0x7f: {  	_ =	shalt  }
0x80: {  	_ =	shalt  }
0x81: {  	_ =	shalt  }
0x82: {  	_ =	shalt  }
0x83: {  	_ =	shalt  }
0x84: {  	_ =	shalt  }
0x85: {  	_ =	shalt  }
0x86: {  	_ =	shalt  }
0x87: {  	_ =	shalt  }
.Lfunc_end0:
.L_simem_size_0:
called_computation.1_lowered:
.L_overlay_start_0:
0x88: {  	s2 =	sld [smem:$0x3FD9]  }
0x89: {  	s3 =	sld [smem:$0x3FFE];
	_ =	sdelay $0x1  }
0x8a: {  	s1 =	srdreg.scid  }
0x8b: {  	s0 =	sand.u32 $0x1, s1  }
0x8c: {  	s17 =	sshll.u32 s0, $0xA;
	s2 =	sadd.s32 s3, s2  }
0x8d: {  	s2 =	sadd.s32 s2, s17  }
0x8e: {  	[smem:$0x3FBC] =	sst s2  }
0x8f: {  	_ = 	snop  }
0x90: {  	s2 =	sld [smem:$0x3FD0];
	(tm) =	ssettm $0x1  }
0x91: {  	s18 =	sld [smem:$0x3FFB];
	_ =	sdelay $0x3  }
0x92: {  	_ =	strace s18  }
0x93: {  	s3 =	sld [smem:$0x3FFC];
	_ =	sdelay $0x3  }
0x94: {  	_ =	strace s3  }
0x95: {  	s3 =	sld [smem:$0x3FFD];
	_ =	sdelay $0x3  }
0x96: {  	_ =	strace s3  }
0x97: {  	_ =	strace $0x8FFFFFFF  }
0x98: {  	s19 =	sld [smem:$0x3FDB];
	_ =	sdelay $0x1  }
0x99: {  	s4 =	simm.s32 $_scs_section_size  }
0x9a: {  	s5 =	simm.s32 $_size__tile_overlayer_lowered;
	s6 =	simm.s32 $_tile_overlayer_lowered  }
0x9b: {  	s22 =	simm.s32 $0x1BFF;
	s21 =	sshll.u32 s6, $0x1;
	s3 =	sadd.s32 s4, s19  }
0x9c: {  	s7 =	simm.s32 $0x0;
	s20 =	sshll.u32 s5, $0x1;
	s5 =	sadd.s32 s21, s3  }
0x9d: {  	[timem:s7], [sflag:s22] =	dma.local [hbm:s5], s20  }
0x9e: {  	_ =	swait.ge [sflag:s22], s20  }
0x9f: {  	s4 =	ssub.s32 $0x0, s20;
	[sflag:s22] =	ssyncset.done $0x0  }
0xa0: {  	[sflag:s22] =	ssyncadd.s32 s4;
	_ =	sdelay $0x1  }
0xa1: {  	s23 =	simm.s32 $0x1B8B  }
0xa2: {  	_ =	swait.ge [sflag:s23], $0x1  }
0xa3: {  	[sflag:s23] =	ssyncset.done $0x0  }
0xa4: {  	s25 =	simm.s32 $0x1B8E;
	s24 =	sld [smem:$0x3FFE];
	[sflag:s23] =	ssyncadd.s32 $0xFFFFFFFF  }
0xa5: {  	s26 =	simm.s32 $execute0_lowered;
	[smem:$0x3FD2] =	sst s25  }
0xa6: {  	s5 =	sshll.u32 s26, $0x1;
	_ =	strace $0x80000049;
	[dreg:$0x1] =	wrdreg $0xFFFFFFFF  }
0xa7: {  	s28 =	simm.s32 $_size_execute0_lowered;
	s3 =	sadd.s32 s3, s5;
	[dreg:$0x0] =	wrdreg $0x0  }
0xa8: {  	s5 =	sshll.u32 s28, $0x1;
	[dreg:$0x2] =	wrdreg s3  }
0xa9: {  	[dreg:$0x3] =	wrdreg s5  }
0xaa: {  	[dreg:$0x4] =	wrdreg $0xC0  }
0xab: {  	_ =	task [dreg:s7], $0x5FFFF  }
0xac: {  	[dreg:$0x1] =	wrdreg $0xFFFFFFFF  }
0xad: {  	[dreg:$0x0] =	wrdreg $0x60  }
0xae: {  	[dreg:$0x2] =	wrdreg s24  }
0xaf: {  	[dreg:$0x3] =	wrdreg s2  }
0xb0: {  	[dreg:$0x4] =	wrdreg $0x75000  }
0xb1: {  	[dreg:$0x5] =	wrdreg $0x9  }
0xb2: {  	_ =	task.clear_ibuf [dreg:s7], $0x6FFFF;
	_ =	strace $0x90000049  }
0xb3: {  	s29 =	simm.s32 $0x9;
	_ =	strace $0x8000004B  }
0xb4: {  	_ =	swait.ge [sflag:s29], $0x1  }
0xb5: {  	[sflag:s29] =	ssyncadd.s32 $0xFFFFFFFF  }
0xb6: {  	_ =	strace $0x9000004B  }
0xb7: {  	_ =	sfence  }
0xb8: {  	s30 =	sld [smem:$0x0];
	_ =	sdelay $0x2  }
0xb9: {  	s31 =	sshll.u32 s1, $0xD;
	s1 =	sshrl.u32 s1, $0x2  }
0xba: {  	s3 =	sand.u32 $0x4000, s31;
	s1 =	sadd.s32 s1, s30  }
0xbb: {  	s0 =	sor.u32 s3, s0;
	s1 =	sshll.u32 s1, $0x11  }
0xbc: {  	s0 =	sor.u32 s1, s0  }
0xbd: {  	s0 =	sadd.s32 $0x8F2B, s0  }
0xbe: {  	[sflag:s0] =	ssyncadd.remote.s32 $0x1  }
0xbf: {  	_ =	sfence.sel $0xFFFF  }
0xc0: {  	[dreg:$0x0] =	wrdreg $0xFFFFFFFF;
	(pc) =	sbr.abs _section_cstart, $3  }
0xc1: {  	[dreg:$0x1] =	wrdreg $0xFFFFFFFF  }
0xc2: {  	_ =	task.clear_ibuf [dreg:s7], $0x2FFFF;
	_ =	strace $0x9FFFFFFF  }
0xc3: {  	(tm) =	ssettm $0x7FFFFFFF  }
tec
execute0_lowered:
.L_overlay_start_1:
0x0: {  	(tag) =	ssettag $0x1  }
0x1: {  	s7 =	rddreg [dreg:$0x0];
	s17 =	stileid.u32  }
0x2: {  	s0 =	srdreg.scid;
	s1 =	simm.s32 $0x0;
	s3 =	smul.u32 $0x280, s17  }
0x3: {  	s4 =	sand.u32 $0x1, s0;
	s0 =	smul.u32 $0x16800, s17;
	s29 =	sshll.u32 s17, $0x1  }
0x4: {  	s2 =	ssub.s32 $0x2, s4;
	s9 =	smul.u32 $0x168000, s4;
	s15 =	sor.u32 s4, s29  }
0x5: {  	s5 =	sshrl.u32 s2, $0x1;
	s10 =	sor.u32 $0x40, s3;
	s15 =	smul.u32 $0x52, s15  }
0x6: {  	s19 =	sadd.s32 $0x80, s3;
	s14 =	ssub.s32 s2, s5;
	s2 =	smul.u32 $0x90, s10  }
0x7: {  	[smem:$0x7FF] =	sst s1;
	s3 =	smul.u32 $0x90, s19  }
0x8: {  	s12 =	sadd.s32 $0x3DA00, s7;
	s6 =	sadd.s32 s9, s0;
	s26 =	smul.u32 $0x240, s10  }
0x9: {  	s5 =	sadd.s32 $0x9000, s0;
	s29 =	smul.u32 $0x240, s19;
	s8 =	sadd.s32 s9, s2  }
0xa: {  	s6 =	sshrl.u32 s6, $0x3;
	s20 =	sadd.s32 s9, s5;
	s8 =	sshrl.u32 s8, $0x3  }
0xb: {  	s28 =	smax.u32 s14, $0x1;
	s6 =	sadd.s32 s12, s6;
	s4 =	sadd.s32 s12, s8  }
0xc: {  	s11 =	sadd.s32 s9, s3;
	[dreg:$0x5] =	wrdreg s4;
	s4 =	sadd.s32 $0x6C00, s0  }
0xd: {  	[dreg:$0x4] =	wrdreg s6;
	s13 =	sshrl.u32 s11, $0x3;
	s16 =	sadd.s32 s9, s4  }
0xe: {  	s6 =	sadd.s32 s12, s13;
	s8 =	sshrl.u32 s20, $0x3;
	s18 =	sshrl.u32 s16, $0x3  }
0xf: {  	s20 =	sadd.s32 $0xFC00, s0;
	[dreg:$0x6] =	wrdreg s6;
	s6 =	sadd.s32 s12, s18  }
0x10: {  	s8 =	sadd.s32 s12, s8;
	[dreg:$0x7] =	wrdreg s6;
	s6 =	sadd.s32 $0xB400, s0  }
0x11: {  	[dreg:$0x8] =	wrdreg s8;
	s8 =	sadd.s32 $0xD800, s0;
	s11 =	sadd.s32 s9, s6  }
0x12: {  	s22 =	sadd.s32 s9, s20;
	s13 =	sadd.s32 s9, s8;
	s11 =	sshrl.u32 s11, $0x3  }
0x13: {  	s23 =	sshrl.u32 s22, $0x3;
	s21 =	sshrl.u32 s13, $0x3;
	s11 =	sadd.s32 s12, s11  }
0x14: {  	[dreg:$0x9] =	wrdreg s11;
	s11 =	sadd.s32 s12, s21;
	s21 =	sadd.s32 $0x12000, s0  }
0x15: {  	[dreg:$0xa] =	wrdreg s11;
	s11 =	sadd.s32 s12, s23;
	s24 =	sadd.s32 s9, s21  }
0x16: {  	s22 =	sadd.s32 $0x14400, s0;
	[dreg:$0xb] =	wrdreg s11;
	s25 =	sshrl.u32 s24, $0x3  }
0x17: {  	s9 =	sadd.s32 s9, s22;
	s11 =	rddreg [dreg:$0x1];
	s13 =	sadd.s32 s12, s25  }
0x18: {  	s16 =	sadd.s32 $0xBA00, s7;
	s9 =	sshrl.u32 s9, $0x3;
	[dreg:$0xc] =	wrdreg s13  }
0x19: {  	s18 =	sadd.s32 $0x1600, s7;
	s9 =	sadd.s32 s12, s9;
	s13 =	rddreg [dreg:$0x2]  }
0x1a: {  	s23 =	sshrl.u32 s29, $0x2;
	[dreg:$0xd] =	wrdreg s9;
	s9 =	smul.u32 $0x5A000, s17  }
0x1b: {  	s17 =	sadd.s32 $0x38A00, s7;
	s7 =	sshrl.u32 s26, $0x2;
	_ =	strace $0x8000004A  }
0x1c: {  	[dreg:$0xe] =	wrdreg s28;
	s7 =	sadd.s32 s7, s13;
	s0 =	sadd.s32 s0, s13  }
0x1d: {  	s2 =	sadd.s32 s2, s13;
	s3 =	sadd.s32 s3, s13;
	s4 =	sadd.s32 s4, s13  }
0x1e: {  	s5 =	sadd.s32 s5, s13;
	s6 =	sadd.s32 s6, s13;
	s14 =	sshrl.u32 s9, $0x2  }
0x1f: {  	s19 =	sadd.s32 $0x1B000, s9;
	[dreg:$0x10] =	wrdreg s7;
	s7 =	sadd.s32 s23, s13  }
0x20: {  	s26 =	sadd.s32 $0x24000, s9;
	s28 =	sadd.s32 $0x2D000, s9;
	s29 =	sadd.s32 $0x36000, s9  }
0x21: {  	s23 =	sadd.s32 $0x48000, s9;
	s31 =	sshrl.u32 s0, $0x3;
	s0 =	sshrl.u32 s3, $0x3  }
0x22: {  	s3 =	sshrl.u32 s5, $0x3;
	s12 =	sadd.s32 s14, s13;
	s24 =	sshrl.u32 s19, $0x2  }
0x23: {  	[dreg:$0x11] =	wrdreg s7;
	s7 =	sshrl.u32 s26, $0x2;
	s10 =	sshrl.u32 s28, $0x2  }
0x24: {  	s19 =	sadd.s32 $0x3F000, s9;
	s9 =	sadd.s32 $0x51000, s9;
	s26 =	sadd.s32 s20, s13  }
0x25: {  	s28 =	sadd.s32 s21, s13;
	s20 =	simm.s32 $0x4900;
	s21 =	simm.s32 $0x1  }
0x26: {  	[dreg:$0xf] =	wrdreg s12;
	s25 =	sadd.s32 s24, s13;
	s7 =	sadd.s32 s7, s13  }
0x27: {  	s12 =	sshrl.u32 s29, $0x2;
	s24 =	sshrl.u32 s23, $0x2;
	s9 =	sshrl.u32 s9, $0x2  }
0x28: {  	s29 =	sadd.s32 s22, s13;
	s22 =	simm.s32 $0x2;
	[dreg:$0x12] =	wrdreg s25  }
0x29: {  	s23 =	simm.s32 $0x0;
	[dreg:$0x13] =	wrdreg s7;
	s7 =	sadd.s32 s10, s13  }
0x2a: {  	s14 =	sadd.s32 s12, s13;
	s30 =	sadd.s32 s9, s13;
	s25 =	sadd.s32 s8, s13  }
0x2b: {  	s10 =	sshrl.u32 s2, $0x3;
	s2 =	sshrl.u32 s4, $0x3;
	s4 =	sshrl.u32 s6, $0x3  }
0x2c: {  	s6 =	sshrl.u32 s26, $0x3;
	s8 =	sshrl.u32 s29, $0x3;
	s9 =	simm.s32 $0x5100  }
0x2d: {  	s12 =	simm.s32 $0x3;
	[dreg:$0x14] =	wrdreg s7;
	s7 =	sshrl.u32 s19, $0x2  }
0x2e: {  	[dreg:$0x15] =	wrdreg s14;
	s5 =	sshrl.u32 s25, $0x3;
	s7 =	sadd.s32 s7, s13  }
0x2f: {  	s14 =	simm.s32 $0x80;
	[dreg:$0x16] =	wrdreg s7;
	s7 =	sadd.s32 s24, s13  }
0x30: {  	v0 =	vimm.f32 $0.0e+00;
	vm0 =	vmmov $0x1;
	v1 =	vimm.s32 $0x0;
	s19 =	simm.s32 $0x100;
	[dreg:$0x17] =	wrdreg s7;
	s7 =	sshrl.u32 s28, $0x3  }
.LBB2_1:
0x31: {  	s24 =	simm.s32 $0x0;
	s25 =	simm.s32 $0x240  }
.LBB2_2:
0x32: {  	p0 =	sne.s32 s25, $0x8DC0;
	[tilespmem:s24+$0x5180] =	vst v0  }
0x33: {  	[tilespmem:s24+$0x5100] =	vst v0  }
0x34: {  	[tilespmem:s24+$0x5110] =	vst v0  }
0x35: {  	[tilespmem:s24+$0x5120] =	vst v0  }
.Ltmp0:
0x36: {  	[tilespmem:s24+$0x5130] =	vst v0;
	(pc) =	sbr.rel @p0 .LBB2_2-.Ltmp0, $4  }
0x37: {  	[tilespmem:s24+$0x5140] =	vst v0  }
0x38: {  	[tilespmem:s24+$0x5150] =	vst v0  }
0x39: {  	[tilespmem:s24+$0x5160] =	vst v0  }
0x3a: {  	[tilespmem:s24+$0x5170] =	vst v0;
	s24 =	sshra.s32 s25, $0x2;
	s25 =	sadd.s32 $0x240, s25  }
0x3b: {  	[tilespmem:s24+$0x5180] =	vst v0  }
0x3c: {  	[tilespmem:s24+$0x5100] =	vst v0  }
0x3d: {  	[tilespmem:s24+$0x5110] =	vst v0  }
0x3e: {  	[tilespmem:s24+$0x5120] =	vst v0  }
0x3f: {  	[tilespmem:s24+$0x5130] =	vst v0  }
0x40: {  	[tilespmem:s24+$0x5140] =	vst v0  }
0x41: {  	[tilespmem:s24+$0x5150] =	vst v0  }
0x42: {  	[tilespmem:s24+$0x5160] =	vst v0  }
0x43: {  	[tilespmem:s24+$0x5170] =	vst v0;
	s29 =	rddreg [dreg:$0xf]  }
0x44: {  	[spmem:s29] =	stream.linear.scatter [tilespmem:s9], [sflag:$0x3], $0x2400, $0x38;
	[tilespmem:$0x1DD00] =	vst v63  }
0x45: {  	_ =	swait.ge [sflag:s12], $0x2400  }
0x46: {  	[sflag:s12] =	ssyncset.done $0x0  }
0x47: {  	s25 =	rddreg [dreg:$0x10];
	[sflag:s12] =	ssyncadd.s32 $0xFFFFDC00  }
0x48: {  	[spmem:s25] =	stream.linear.scatter [tilespmem:s9], [sflag:$0x3], $0x2400, $0x38;
	[tilespmem:$0x1DD00] =	vst v63  }
0x49: {  	_ =	swait.ge [sflag:s12], $0x2400  }
0x4a: {  	[sflag:s12] =	ssyncset.done $0x0  }
0x4b: {  	s26 =	rddreg [dreg:$0x11];
	[sflag:s12] =	ssyncadd.s32 $0xFFFFDC00  }
0x4c: {  	[spmem:s26] =	stream.linear.scatter [tilespmem:s9], [sflag:$0x3], $0x2400, $0x38;
	[tilespmem:$0x1DD00] =	vst v63  }
0x4d: {  	_ =	swait.ge [sflag:s12], $0x2400  }
0x4e: {  	[sflag:s12] =	ssyncset.done $0x0  }
0x4f: {  	s28 =	rddreg [dreg:$0x12];
	[sflag:s12] =	ssyncadd.s32 $0xFFFFDC00  }
0x50: {  	[spmem:s28] =	stream.linear.scatter [tilespmem:s9], [sflag:$0x3], $0x2400, $0x38;
	[tilespmem:$0x1DD00] =	vst v63  }
0x51: {  	_ =	swait.ge [sflag:s12], $0x2400  }
0x52: {  	[sflag:s12] =	ssyncset.done $0x0  }
0x53: {  	s29 =	rddreg [dreg:$0x13];
	[sflag:s12] =	ssyncadd.s32 $0xFFFFDC00  }
0x54: {  	[spmem:s29] =	stream.linear.scatter [tilespmem:s9], [sflag:$0x3], $0x2400, $0x38;
	[tilespmem:$0x1DD00] =	vst v63  }
0x55: {  	_ =	swait.ge [sflag:s12], $0x2400  }
0x56: {  	[sflag:s12] =	ssyncset.done $0x0  }
0x57: {  	s25 =	rddreg [dreg:$0x14];
	[sflag:s12] =	ssyncadd.s32 $0xFFFFDC00  }
0x58: {  	[spmem:s25] =	stream.linear.scatter [tilespmem:s9], [sflag:$0x3], $0x2400, $0x38;
	[tilespmem:$0x1DD00] =	vst v63  }
0x59: {  	_ =	swait.ge [sflag:s12], $0x2400  }
0x5a: {  	[sflag:s12] =	ssyncset.done $0x0  }
0x5b: {  	s26 =	rddreg [dreg:$0x15];
	[sflag:s12] =	ssyncadd.s32 $0xFFFFDC00  }
0x5c: {  	[spmem:s26] =	stream.linear.scatter [tilespmem:s9], [sflag:$0x3], $0x2400, $0x38;
	[tilespmem:$0x1DD00] =	vst v63  }
0x5d: {  	_ =	swait.ge [sflag:s12], $0x2400  }
0x5e: {  	[sflag:s12] =	ssyncset.done $0x0  }
0x5f: {  	s28 =	rddreg [dreg:$0x16];
	[sflag:s12] =	ssyncadd.s32 $0xFFFFDC00  }
0x60: {  	[spmem:s28] =	stream.linear.scatter [tilespmem:s9], [sflag:$0x3], $0x2400, $0x38;
	[tilespmem:$0x1DD00] =	vst v63  }
0x61: {  	_ =	swait.ge [sflag:s12], $0x2400  }
0x62: {  	[sflag:s12] =	ssyncset.done $0x0  }
0x63: {  	s29 =	rddreg [dreg:$0x17];
	[sflag:s12] =	ssyncadd.s32 $0xFFFFDC00  }
0x64: {  	[spmem:s29] =	stream.linear.scatter [tilespmem:s9], [sflag:$0x3], $0x2400, $0x38;
	[tilespmem:$0x1DD00] =	vst v63  }
0x65: {  	_ =	swait.ge [sflag:s12], $0x2400  }
0x66: {  	[sflag:s12] =	ssyncset.done $0x0  }
0x67: {  	[sflag:s12] =	ssyncadd.s32 $0xFFFFDC00  }
0x68: {  	[spmem:s30] =	stream.linear.scatter [tilespmem:s9], [sflag:$0x3], $0x2400, $0x38;
	[tilespmem:$0x1DD00] =	vst v63  }
0x69: {  	_ =	swait.ge [sflag:s12], $0x2400  }
0x6a: {  	[sflag:s12] =	ssyncset.done $0x0  }
0x6b: {  	[sflag:s12] =	ssyncadd.s32 $0xFFFFDC00  }
0x6c: {  	s24 =	simm.s32 $0x0;
	[bflag:$0x0] =	sbarrier.arrive $0xFFFF  }
.LBB2_4:
0x6d: {  	s25 =	sadd.s32 s15, s24  }
0x6e: {  	s25 =	sshll.u32 s25, $0x4  }
0x6f: {  	s26 =	sadd.s32 s11, s25  }
0x70: {  	[tilespmem:s1], [sflag:$0x3] =	stream.linear.gather [hbm4b:s26+s1], $0x80, $0x38;
	[tilespmem:$0x1DD00] =	vst v63  }
0x71: {  	_ =	swait.ge [sflag:s12], $0x80  }
0x72: {  	[sflag:s12] =	ssyncset.done $0x0  }
0x73: {  	s25 =	sadd.s32 s18, s25;
	[sflag:s12] =	ssyncadd.s32 $0xFFFFFF80  }
0x74: {  	[tilespmem:s14], [sflag:$0x3] =	stream.linear.gather [hbm4b:s25+s1], $0x80, $0x38;
	[tilespmem:$0x1DD00] =	vst v63  }
0x75: {  	_ =	swait.ge [sflag:s12], $0x80  }
0x76: {  	[sflag:s12] =	ssyncset.done $0x0  }
0x77: {  	[sflag:s12] =	ssyncadd.s32 $0xFFFFFF80  }
0x78: {  	[tilespmem:s19], [sflag:$0x1] =	stream.indirect.gather [hbm4b:s16+s14], $0x90, s1, s14, $0xb8;
	[tilespmem:$0x1DD00] =	vst v63  }
0x79: {  	_ = 	snop  }
0x7a: {  	[tilespmem:s20], [sflag:$0x2] =	stream.indirect.gather [hbm4b:s17+s14], $0x10, s14, s14, $0xb8;
	[tilespmem:$0x1DD00] =	vst v63  }
0x7b: {  	_ =	swait.ge [sflag:s21], $0x4800  }
0x7c: {  	[sflag:s21] =	ssyncset.done $0x0  }
0x7d: {  	[sflag:s21] =	ssyncadd.s32 $0xFFFFB800  }
0x7e: {  	_ =	swait.ge [sflag:s22], $0x800  }
0x7f: {  	[sflag:s22] =	ssyncset.done $0x0  }
0x80: {  	s25 =	simm.s32 $0x340;
	[sflag:s22] =	ssyncadd.s32 $0xFFFFF800  }
0x81: {  	s26 =	simm.s32 $0x4940;
	v2 =	vld [tilespmem:s25+$0x230]  }
0x82: {  	v3 =	vld [tilespmem:s26+$0x30]  }
0x83: {  	v4 =	vld [tilespmem:s26+$0xFFFFFFC0]  }
0x84: {  	v5 =	vld [tilespmem:s25+$0xFFFFFED0]  }
0x85: {  	v6 =	vld [tilespmem:s26+$0xFFFFFFD0]  }
0x86: {  	v7 =	vld [tilespmem:s25+$0xFFFFFF60]  }
0x87: {  	v8 =	vld [tilespmem:s26+$0xFFFFFFE0]  }
0x88: {  	v9 =	vld [tilespmem:s25+$0xFFFFFFF0]  }
0x89: {  	v10 =	vld [tilespmem:s26+$0xFFFFFFF0]  }
0x8a: {  	v11 =	vld [tilespmem:s25+$0x80]  }
0x8b: {  	v12 =	vld [tilespmem:s25+$0x110];
	v2 =	vadd.f32 v3, v2  }
0x8c: {  	v14 =	vld [tilespmem:s26+$0x10];
	v3 =	vadd.f32 v6, v5  }
0x8d: {  	v15 =	vld [tilespmem:s25+$0xFFFFFE40];
	v6 =	vmul.f32 $2.000000030e-01, v2  }
0x8e: {  	v16 =	vld [tilespmem:s25+$0xFFFFFDC0];
	vm1 =	vgt.f32 v2, $0.0e+00;
	v13 =	vmul.f32 $2.000000030e-01, v3  }
0x8f: {  	v17 =	vld [tilespmem:s25+$0xFFFFFDD0];
	v2 =	vsel vm1, v2, v6;
	vm1 =	vgt.f32 v3, $0.0e+00  }
0x90: {  	v18 =	vld [tilespmem:s25+$0x220];
	v2 =	vmul.f32 $1.442695020e+00, v2;
	v3 =	vsel vm1, v3, v13  }
0x91: {  	v19 =	vld [tilespmem:s25+$0xFFFFFE10];
	v3 =	vmul.f32 $1.442695020e+00, v3  }
0x92: {  	v21 =	vld [tilespmem:s25+$0xFFFFFE60];
	(erf) = vpow2.f32 v2  }
0x93: {  	v22 =	vld [tilespmem:s25+$0xFFFFFE80];
	v2 =	vadd.f32 v8, v7;
	(erf) = vpow2.f32 v3  }
0x94: {  	v23 =	vld [tilespmem:s25+$0xFFFFFE30]  }
0x95: {  	v25 =	vld [tilespmem:s25+$0xFFFFFEA0];
	v3 =	vadd.f32 v10, v9;
	v9 =	vmul.f32 $2.000000030e-01, v2  }
0x96: {  	v28 =	vld [tilespmem:s25+$0xFFFFFF00];
	v4 =	vadd.f32 v4, v15;
	vm1 =	vgt.f32 v2, $0.0e+00  }
0x97: {  	v62 =	vld [tilespmem:s25+$0x180];
	v15 =	vmul.f32 $2.000000030e-01, v3;
	v2 =	vsel vm1, v2, v9  }
0x98: {  	v63 =	vld [tilespmem:s25+$0x190];
	vm2 =	vgt.f32 v3, $0.0e+00;
	v9 =	vmul.f32 $2.000000030e-01, v4;
	v2 =	vmul.f32 $1.442695020e+00, v2  }
0x99: {  	v31 =	vld [tilespmem:s25+$0x1B0];
	vm1 =	vgt.f32 v4, $0.0e+00;
	v3 =	vsel vm2, v3, v15  }
0x9a: {  	v5 =	vld [tilespmem:s26+$0x0];
	v3 =	vmul.f32 $1.442695020e+00, v3;
	v4 =	vsel vm1, v4, v9  }
0x9b: {  	v9 =	vld [tilespmem:s25+$0xFFFFFE50];
	v4 =	vmul.f32 $1.442695020e+00, v4;
	v20 =	vpop (erf);
	(erf) = vpow2.f32 v2  }
0x9c: {  	v6 =	vld [tilespmem:s25+$0x1A0];
	(erf) = vpow2.f32 v3;
	v2 =	vpop (erf);
	v20 =	vnsel vm0, $0x0, v20  }
0x9d: {  	v13 =	vld [tilespmem:s26+$0x20];
	(erf) = vpow2.f32 v4;
	v4 =	vnsel vm0, $0x0, v2;
	v2 =	vperm.xlane v20, v1  }
0x9e: {  	v3 =	vld [tilespmem:s25+$0xFFFFFE70];
	v24 =	vperm.xlane v4, v1  }
0x9f: {  	v5 =	vadd.f32 v5, v11;
	v11 =	vld [tilespmem:s25+$0xFFFFFF90];
	[tilespmem:s25+$0x230] =	vst v20;
	v18 =	vmul.f32 v18, v2  }
0xa0: {  	v20 =	vld [tilespmem:s25+$0xFFFFFEB0];
	[tilespmem:s25+$0xFFFFFED0] =	vst v4;
	v9 =	vmul.f32 v9, v24  }
0xa1: {  	v4 =	vld [tilespmem:s25+$0xFFFFFE90];
	v22 =	vmul.f32 v22, v24;
	[tilespmem:s25+$0x220] =	vst v18  }
0xa2: {  	v18 =	vmul.f32 v21, v24;
	v21 =	vld [tilespmem:s25+$0xFFFFFEC0];
	[tilespmem:s25+$0xFFFFFE50] =	vst v9  }
0xa3: {  	v3 =	vmul.f32 v3, v24;
	v9 =	vld [tilespmem:s25+$0xFFFFFEE0];
	[tilespmem:s25+$0xFFFFFE80] =	vst v22  }
0xa4: {  	v25 =	vmul.f32 v25, v24;
	[tilespmem:s25+$0xFFFFFE60] =	vst v18;
	v18 =	vld [tilespmem:s25+$0xFFFFFEF0];
	v26 =	vpop (erf)  }
0xa5: {  	v7 =	vld [tilespmem:s25+$0xFFFFFDE0];
	v20 =	vmul.f32 v20, v24;
	[tilespmem:s25+$0xFFFFFE70] =	vst v3;
	v3 =	vnsel vm0, $0x0, v26  }
0xa6: {  	v22 =	vld [tilespmem:s25+$0xFFFFFF10];
	[tilespmem:s25+$0xFFFFFEA0] =	vst v25;
	v27 =	vmul.f32 v4, v24;
	v26 =	vperm.xlane v3, v1  }
0xa7: {  	v8 =	vld [tilespmem:s25+$0xFFFFFDF0];
	[tilespmem:s25+$0xFFFFFEB0] =	vst v20;
	v29 =	vpop (erf);
	v21 =	vmul.f32 v21, v24  }
0xa8: {  	v25 =	vld [tilespmem:s25+$0xFFFFFF30];
	[tilespmem:s25+$0xFFFFFE90] =	vst v27;
	v4 =	vpop (erf);
	v9 =	vmul.f32 v9, v26  }
0xa9: {  	v20 =	vld [tilespmem:s25+$0xFFFFFF40];
	v4 =	vnsel vm0, $0x0, v4;
	[tilespmem:s25+$0xFFFFFEC0] =	vst v21;
	v18 =	vmul.f32 v18, v26  }
0xaa: {  	v12 =	vadd.f32 v14, v12;
	v10 =	vld [tilespmem:s25+$0xFFFFFE00];
	v24 =	vperm.xlane v4, v1;
	v14 =	vmul.f32 v28, v26;
	[tilespmem:s25+$0xFFFFFEE0] =	vst v9  }
0xab: {  	v15 =	vld [tilespmem:s25+$0xFFFFFE20];
	v22 =	vmul.f32 v22, v26;
	[tilespmem:s25+$0xFFFFFEF0] =	vst v18  }
0xac: {  	v27 =	vld [tilespmem:s25+$0xFFFFFF20];
	v17 =	vmul.f32 v17, v24;
	[tilespmem:s25+$0xFFFFFF00] =	vst v14  }
0xad: {  	v6 =	vadd.f32 v13, v6;
	v21 =	vld [tilespmem:s25+$0xFFFFFF50];
	v13 =	vmul.f32 v25, v26;
	[tilespmem:s25+$0xFFFFFF10] =	vst v22  }
0xae: {  	v20 =	vmul.f32 v20, v26;
	v9 =	vld [tilespmem:s25+$0xFFFFFF70];
	[tilespmem:s25+$0xFFFFFDD0] =	vst v17;
	v17 =	vmul.f32 $2.000000030e-01, v5  }
0xaf: {  	vm1 =	vgt.f32 v5, $0.0e+00;
	v16 =	vmul.f32 v16, v24;
	v7 =	vmul.f32 v7, v24;
	v18 =	vld [tilespmem:s25+$0x10];
	[tilespmem:s25+$0xFFFFFF30] =	vst v13  }
0xb0: {  	v8 =	vmul.f32 v8, v24;
	v10 =	vmul.f32 v10, v24;
	v14 =	vld [tilespmem:s25+$0x20];
	[tilespmem:s25+$0xFFFFFF40] =	vst v20;
	v5 =	vsel vm1, v5, v17  }
0xb1: {  	v19 =	vmul.f32 v19, v24;
	v22 =	vld [tilespmem:s25+$0x30];
	[tilespmem:s25+$0xFFFFFDC0] =	vst v16;
	v5 =	vmul.f32 $1.442695020e+00, v5  }
0xb2: {  	v15 =	vmul.f32 v15, v24;
	v13 =	vld [tilespmem:s25+$0x50];
	[tilespmem:s25+$0xFFFFFDE0] =	vst v7;
	v21 =	vmul.f32 v21, v26  }
0xb3: {  	v20 =	vld [tilespmem:s25+$0x60];
	[tilespmem:s25+$0xFFFFFDF0] =	vst v8;
	v17 =	vmul.f32 v23, v24;
	(erf) = vpow2.f32 v5  }
0xb4: {  	v16 =	vld [tilespmem:s25+$0xFFFFFF80];
	[tilespmem:s25+$0xFFFFFE00] =	vst v10;
	v23 =	vmul.f32 $2.000000030e-01, v12;
	v24 =	vmul.f32 v27, v26  }
0xb5: {  	v7 =	vld [tilespmem:s25+$0xFFFFFFA0];
	[tilespmem:s25+$0xFFFFFE10] =	vst v19;
	vm1 =	vgt.f32 v12, $0.0e+00;
	v27 =	vmul.f32 $2.000000030e-01, v6;
	v5 =	vnsel vm0, $0x0, v29  }
0xb6: {  	v8 =	vld [tilespmem:s25+$0xFFFFFFB0];
	[tilespmem:s25+$0xFFFFFE20] =	vst v15;
	v12 =	vsel vm1, v12, v23;
	vm1 =	vgt.f32 v6, $0.0e+00;
	v25 =	vperm.xlane v5, v1  }
0xb7: {  	v10 =	vld [tilespmem:s25+$0xFFFFFFC0];
	[tilespmem:s25+$0xFFFFFF50] =	vst v21;
	v6 =	vsel vm1, v6, v27  }
0xb8: {  	v19 =	vld [tilespmem:s25+$0xFFFFFFD0];
	[tilespmem:s25+$0xFFFFFE30] =	vst v17;
	v6 =	vmul.f32 $1.442695020e+00, v6;
	v9 =	vmul.f32 v9, v25  }
0xb9: {  	v15 =	vld [tilespmem:s25+$0xFFFFFFE0];
	[tilespmem:s25+$0xFFFFFF20] =	vst v24;
	v12 =	vmul.f32 $1.442695020e+00, v12;
	v16 =	vmul.f32 v16, v25  }
0xba: {  	v21 =	vld [tilespmem:s25+$0x70];
	v11 =	vmul.f32 v11, v25;
	[tilespmem:s25+$0xFFFFFF70] =	vst v9  }
0xbb: {  	v17 =	vld [tilespmem:s25+$0x0];
	(erf) = vpow2.f32 v12;
	v7 =	vmul.f32 v7, v25;
	[tilespmem:s25+$0xFFFFFF80] =	vst v16  }
0xbc: {  	v24 =	vld [tilespmem:s25+$0x40];
	(erf) = vpow2.f32 v6;
	v8 =	vmul.f32 v8, v25;
	[tilespmem:s25+$0xFFFFFF90] =	vst v11;
	v6 =	vpop (erf)  }
0xbd: {  	v12 =	vld [tilespmem:s25+$0xA0];
	v10 =	vmul.f32 v10, v25;
	[tilespmem:s25+$0xFFFFFFA0] =	vst v7;
	v6 =	vnsel vm0, $0x0, v6  }
0xbe: {  	v9 =	vld [tilespmem:s25+$0x90];
	v7 =	vmul.f32 v19, v25;
	[tilespmem:s25+$0xFFFFFFB0] =	vst v8;
	v23 =	vperm.xlane v6, v1  }
0xbf: {  	v11 =	vld [tilespmem:s25+$0xB0];
	v8 =	vmul.f32 v15, v25;
	[tilespmem:s25+$0xFFFFFFC0] =	vst v10  }
0xc0: {  	v16 =	vld [tilespmem:s25+$0xC0];
	[tilespmem:s25+$0xFFFFFFD0] =	vst v7;
	v15 =	vmul.f32 v17, v23;
	v7 =	vmul.f32 v18, v23  }
0xc1: {  	v19 =	vld [tilespmem:s25+$0xD0];
	[tilespmem:s25+$0xFFFFFFE0] =	vst v8;
	v8 =	vmul.f32 v14, v23  }
0xc2: {  	v10 =	vld [tilespmem:s25+$0xE0];
	[tilespmem:s25+$0x0] =	vst v15  }
0xc3: {  	v25 =	vld [tilespmem:s25+$0x140];
	v24 =	vmul.f32 v24, v23;
	[tilespmem:s25+$0x10] =	vst v7  }
0xc4: {  	v17 =	vld [tilespmem:s25+$0xF0];
	v13 =	vmul.f32 v13, v23;
	[tilespmem:s25+$0x20] =	vst v8;
	v7 =	vpop (erf)  }
0xc5: {  	v18 =	vld [tilespmem:s25+$0x100];
	v20 =	vmul.f32 v20, v23;
	[tilespmem:s25+$0x40] =	vst v24;
	v7 =	vnsel vm0, $0x0, v7;
	v8 =	vpop (erf)  }
0xc6: {  	v14 =	vld [tilespmem:s25+$0x120];
	v21 =	vmul.f32 v21, v23;
	[tilespmem:s25+$0x50] =	vst v13;
	v26 =	vperm.xlane v7, v1;
	v8 =	vnsel vm0, $0x0, v8  }
0xc7: {  	v15 =	vmul.f32 v22, v23;
	v22 =	vld [tilespmem:s25+$0x130];
	[tilespmem:s25+$0x60] =	vst v20;
	v27 =	vperm.xlane v8, v1  }
0xc8: {  	v24 =	vld [tilespmem:s25+$0x160];
	[tilespmem:s25+$0x70] =	vst v21;
	v9 =	vmul.f32 v9, v26;
	v12 =	vmul.f32 v12, v26  }
0xc9: {  	[tilespmem:s25+$0x30] =	vst v15;
	v15 =	vld [tilespmem:s25+$0x150];
	v13 =	vmul.f32 v11, v26;
	v16 =	vmul.f32 v16, v26  }
0xca: {  	v23 =	vld [tilespmem:s25+$0x170];
	v19 =	vmul.f32 v19, v26;
	v30 =	vmul.f32 v10, v26;
	[tilespmem:s25+$0x90] =	vst v9  }
0xcb: {  	v32 =	vmul.f32 v17, v26;
	v11 =	vmul.f32 v18, v26;
	v26 =	vld [tilespmem:s25+$0x1C0];
	[tilespmem:s25+$0xA0] =	vst v12  }
0xcc: {  	v20 =	vld [tilespmem:s25+$0x1D0];
	v18 =	vmul.f32 v31, v2;
	v10 =	vmul.f32 v22, v27;
	[tilespmem:s25+$0xB0] =	vst v13  }
0xcd: {  	v21 =	vld [tilespmem:s25+$0x1E0];
	v17 =	vmul.f32 v62, v27;
	v12 =	vmul.f32 v14, v27;
	[tilespmem:s25+$0xC0] =	vst v16  }
0xce: {  	v22 =	vld [tilespmem:s25+$0x1F0];
	v13 =	vmul.f32 v25, v27;
	v14 =	vmul.f32 v15, v27;
	[tilespmem:s25+$0xD0] =	vst v19  }
0xcf: {  	v15 =	vmul.f32 v24, v27;
	v16 =	vmul.f32 v23, v27;
	[tilespmem:s25+$0xE0] =	vst v30;
	v23 =	vld [tilespmem:s25+$0x200]  }
0xd0: {  	s28 =	simm.s32 $0x0;
	s29 =	simm.s32 $0x7C0;
	v9 =	vmul.f32 v63, v27;
	[tilespmem:s25+$0xF0] =	vst v32;
	v24 =	vld [tilespmem:s25+$0x210];
	v19 =	vmul.f32 v26, v2  }
.LBB2_5:
0xd1: {  	v25 =	vld [tilespmem:s29+$0x230];
	[tilespmem:s25+$0x100] =	vst v11;
	v11 =	vmul.f32 v20, v2;
	s26 =	sadd.s32 $0x80, s26  }
0xd2: {  	s28 =	sadd.s32 $0x8, s28;
	v20 =	vld [tilespmem:s26+$0x30];
	[tilespmem:s25+$0x120] =	vst v12;
	v12 =	vmul.f32 v21, v2  }
0xd3: {  	p0 =	slt.u32 s28, $0x78;
	v21 =	vld [tilespmem:s26+$0xFFFFFFC0];
	[tilespmem:s25+$0x130] =	vst v10;
	v10 =	vmul.f32 v22, v2  }
0xd4: {  	v22 =	vld [tilespmem:s29+$0xFFFFFED0];
	[tilespmem:s25+$0x140] =	vst v13;
	v13 =	vmul.f32 v23, v2  }
0xd5: {  	v23 =	vld [tilespmem:s26+$0xFFFFFFD0];
	[tilespmem:s25+$0x150] =	vst v14;
	v2 =	vmul.f32 v24, v2  }
0xd6: {  	v14 =	vld [tilespmem:s29+$0xFFFFFF60];
	[tilespmem:s25+$0x160] =	vst v15  }
0xd7: {  	v15 =	vld [tilespmem:s26+$0xFFFFFFE0];
	v20 =	vadd.f32 v20, v25;
	[tilespmem:s25+$0x170] =	vst v16  }
0xd8: {  	v16 =	vld [tilespmem:s29+$0xFFFFFFF0];
	[tilespmem:s25+$0x180] =	vst v17  }
0xd9: {  	v17 =	vld [tilespmem:s26+$0xFFFFFFF0];
	v24 =	vmul.f32 $2.000000030e-01, v20;
	[tilespmem:s25+$0x190] =	vst v9  }
0xda: {  	vm1 =	vgt.f32 v20, $0.0e+00;
	v9 =	vadd.f32 v23, v22;
	v22 =	vld [tilespmem:s29+$0x80];
	[tilespmem:s25+$0x1B0] =	vst v18  }
0xdb: {  	v18 =	vld [tilespmem:s26+$0x0];
	v20 =	vsel vm1, v20, v24;
	[tilespmem:s25+$0x1C0] =	vst v19  }
0xdc: {  	v19 =	vmul.f32 $2.000000030e-01, v9;
	v14 =	vadd.f32 v15, v14;
	v15 =	vld [tilespmem:s29+$0x110];
	v20 =	vmul.f32 $1.442695020e+00, v20;
	[tilespmem:s25+$0x1D0] =	vst v11  }
0xdd: {  	vm1 =	vgt.f32 v9, $0.0e+00;
	v11 =	vld [tilespmem:s26+$0x10];
	[tilespmem:s25+$0x1E0] =	vst v12  }
0xde: {  	v12 =	vmul.f32 $2.000000030e-01, v14;
	v16 =	vadd.f32 v17, v16;
	v17 =	vld [tilespmem:s29+$0x1A0];
	(erf) = vpow2.f32 v20;
	[tilespmem:s25+$0x1F0] =	vst v10  }
0xdf: {  	v9 =	vsel vm1, v9, v19;
	vm1 =	vgt.f32 v14, $0.0e+00;
	v19 =	vld [tilespmem:s26+$0x20];
	[tilespmem:s25+$0x200] =	vst v13  }
0xe0: {  	v13 =	vld [tilespmem:s29+$0xFFFFFE40];
	vm2 =	vgt.f32 v16, $0.0e+00;
	v20 =	vmul.f32 $2.000000030e-01, v16;
	v18 =	vadd.f32 v18, v22;
	[tilespmem:s25+$0x210] =	vst v2  }
0xe1: {  	v2 =	vmul.f32 $1.442695020e+00, v9;
	v12 =	vsel vm1, v14, v12;
	v22 =	vld [tilespmem:s29+$0xFFFFFDC0];
	[tilespmem:s25+$0xFFFFFE40] =	vst v4  }
0xe2: {  	v9 =	vld [tilespmem:s29+$0xFFFFFDD0];
	vm1 =	vgt.f32 v18, $0.0e+00;
	v4 =	vmul.f32 $2.000000030e-01, v18;
	v11 =	vadd.f32 v11, v15;
	[tilespmem:s25+$0xFFFFFF60] =	vst v3  }
0xe3: {  	v3 =	vmul.f32 $1.442695020e+00, v12;
	v12 =	vsel vm2, v16, v20;
	v10 =	vld [tilespmem:s29+$0xFFFFFDE0];
	(erf) = vpow2.f32 v2;
	[tilespmem:s25+$0xFFFFFFF0] =	vst v5  }
0xe4: {  	v14 =	vld [tilespmem:s29+$0xFFFFFDF0];
	vm2 =	vgt.f32 v11, $0.0e+00;
	v2 =	vmul.f32 $2.000000030e-01, v11;
	v5 =	vadd.f32 v19, v17;
	[tilespmem:s25+$0x80] =	vst v6  }
0xe5: {  	v12 =	vmul.f32 $1.442695020e+00, v12;
	v4 =	vsel vm1, v18, v4;
	v6 =	vadd.f32 v21, v13;
	v13 =	vld [tilespmem:s29+$0xFFFFFE00];
	[tilespmem:s25+$0x110] =	vst v7  }
0xe6: {  	v2 =	vsel vm2, v11, v2;
	vm1 =	vgt.f32 v5, $0.0e+00;
	v7 =	vmul.f32 $2.000000030e-01, v5;
	v11 =	vld [tilespmem:s29+$0x220];
	[tilespmem:s25+$0x1A0] =	vst v8;
	s25 =	smov.u32 s29  }
0xe7: {  	v4 =	vmul.f32 $1.442695020e+00, v4;
	vm2 =	vgt.f32 v6, $0.0e+00;
	v8 =	vmul.f32 $2.000000030e-01, v6;
	v15 =	vld [tilespmem:s29+$0xFFFFFE10];
	v16 =	vpop (erf)  }
0xe8: {  	v18 =	vmul.f32 $1.442695020e+00, v2;
	v17 =	vld [tilespmem:s29+$0xFFFFFE20];
	v2 =	vsel vm1, v5, v7;
	v5 =	vnsel vm0, $0x0, v16  }
0xe9: {  	v6 =	vsel vm2, v6, v8;
	v16 =	vld [tilespmem:s29+$0xFFFFFE30];
	v7 =	vmul.f32 $1.442695020e+00, v2;
	[tilespmem:s29+$0x230] =	vst v5;
	v2 =	vperm.xlane v5, v1  }
0xea: {  	v19 =	vmul.f32 $1.442695020e+00, v6;
	v6 =	vld [tilespmem:s29+$0xFFFFFE50];
	(erf) = vpow2.f32 v3  }
0xeb: {  	v3 =	vld [tilespmem:s29+$0xFFFFFE60];
	v8 =	vmul.f32 v11, v2;
	(erf) = vpow2.f32 v12  }
0xec: {  	v11 =	vld [tilespmem:s29+$0xFFFFFE70];
	(erf) = vpow2.f32 v19;
	v5 =	vpop (erf)  }
0xed: {  	v5 =	vnsel vm0, $0x0, v5;
	v12 =	vld [tilespmem:s29+$0xFFFFFE80];
	[tilespmem:s29+$0x220] =	vst v8;
	(erf) = vpow2.f32 v4  }
0xee: {  	[tilespmem:s29+$0xFFFFFED0] =	vst v5;
	v8 =	vperm.xlane v5, v1;
	v4 =	vld [tilespmem:s29+$0xFFFFFE90];
	(erf) = vpow2.f32 v18  }
0xef: {  	v5 =	vld [tilespmem:s29+$0xFFFFFEA0];
	(erf) = vpow2.f32 v7  }
0xf0: {  	v6 =	vmul.f32 v6, v8;
	v21 =	vmul.f32 v3, v8;
	v7 =	vld [tilespmem:s29+$0xFFFFFEB0]  }
0xf1: {  	v11 =	vmul.f32 v11, v8;
	v18 =	vld [tilespmem:s29+$0xFFFFFEC0]  }
0xf2: {  	[tilespmem:s29+$0xFFFFFE50] =	vst v6;
	v6 =	vmul.f32 v12, v8;
	v12 =	vld [tilespmem:s29+$0xFFFFFEE0]  }
0xf3: {  	[tilespmem:s29+$0xFFFFFE60] =	vst v21;
	v19 =	vmul.f32 v4, v8;
	v20 =	vld [tilespmem:s29+$0xFFFFFEF0];
	v3 =	vpop (erf)  }
0xf4: {  	[tilespmem:s29+$0xFFFFFE70] =	vst v11;
	v11 =	vmul.f32 v5, v8;
	v3 =	vnsel vm0, $0x0, v3;
	v21 =	vld [tilespmem:s29+$0xFFFFFF00];
	v4 =	vpop (erf)  }
0xf5: {  	[tilespmem:s29+$0xFFFFFE80] =	vst v6;
	v7 =	vmul.f32 v7, v8;
	v23 =	vperm.xlane v3, v1;
	v24 =	vld [tilespmem:s29+$0xFFFFFF10];
	v5 =	vnsel vm0, $0x0, v4;
	v4 =	vpop (erf)  }
0xf6: {  	v4 =	vnsel vm0, $0x0, v4;
	[tilespmem:s29+$0xFFFFFE90] =	vst v19;
	v8 =	vmul.f32 v18, v8;
	v18 =	vld [tilespmem:s29+$0xFFFFFF20];
	v19 =	vperm.xlane v5, v1;
	v6 =	vpop (erf)  }
0xf7: {  	v25 =	vperm.xlane v4, v1;
	[tilespmem:s29+$0xFFFFFEA0] =	vst v11;
	v11 =	vmul.f32 v12, v23;
	v12 =	vld [tilespmem:s29+$0xFFFFFF30];
	v6 =	vnsel vm0, $0x0, v6;
	v26 =	vpop (erf)  }
0xf8: {  	[tilespmem:s29+$0xFFFFFEB0] =	vst v7;
	v20 =	vmul.f32 v20, v23;
	v27 =	vld [tilespmem:s29+$0xFFFFFF40];
	v28 =	vperm.xlane v6, v1;
	v7 =	vnsel vm0, $0x0, v26;
	v26 =	vpop (erf)  }
0xf9: {  	v22 =	vmul.f32 v22, v25;
	[tilespmem:s29+$0xFFFFFEC0] =	vst v8;
	v29 =	vld [tilespmem:s29+$0xFFFFFF50];
	v30 =	vperm.xlane v7, v1;
	v8 =	vnsel vm0, $0x0, v26  }
0xfa: {  	v26 =	vmul.f32 v9, v25;
	[tilespmem:s29+$0xFFFFFEE0] =	vst v11;
	v11 =	vld [tilespmem:s29+$0xFFFFFF70];
	v9 =	vperm.xlane v8, v1  }
0xfb: {  	v10 =	vmul.f32 v10, v25;
	v14 =	vmul.f32 v14, v25;
	[tilespmem:s29+$0xFFFFFDC0] =	vst v22;
	v22 =	vld [tilespmem:s29+$0xFFFFFF80]  }
0xfc: {  	v13 =	vmul.f32 v13, v25;
	v15 =	vmul.f32 v15, v25;
	[tilespmem:s29+$0xFFFFFDD0] =	vst v26;
	v26 =	vld [tilespmem:s29+$0xFFFFFF90]  }
0xfd: {  	v16 =	vmul.f32 v16, v25;
	[tilespmem:s29+$0xFFFFFDE0] =	vst v10;
	v10 =	vmul.f32 v17, v25;
	v17 =	vld [tilespmem:s29+$0xFFFFFFA0]  }
0xfe: {  	[tilespmem:s29+$0xFFFFFDF0] =	vst v14;
	v14 =	vmul.f32 v21, v23;
	v21 =	vmul.f32 v24, v23;
	v24 =	vld [tilespmem:s29+$0xFFFFFFB0]  }
0xff: {  	v12 =	vmul.f32 v12, v23;
	[tilespmem:s29+$0xFFFFFE00] =	vst v13;
	v13 =	vmul.f32 v18, v23;
	v18 =	vld [tilespmem:s29+$0xFFFFFFC0]  }
0x100: {  	[tilespmem:s29+$0xFFFFFE10] =	vst v15;
	v15 =	vmul.f32 v27, v23;
	v23 =	vmul.f32 v29, v23;
	v25 =	vld [tilespmem:s29+$0xFFFFFFD0]  }
0x101: {  	[tilespmem:s29+$0xFFFFFE20] =	vst v10;
	v10 =	vmul.f32 v11, v19;
	v11 =	vmul.f32 v22, v19;
	v22 =	vld [tilespmem:s29+$0xFFFFFFE0]  }
0x102: {  	[tilespmem:s29+$0xFFFFFE30] =	vst v16;
	v16 =	vmul.f32 v26, v19;
	v17 =	vmul.f32 v17, v19;
	v26 =	vld [tilespmem:s29+$0x0]  }
0x103: {  	[tilespmem:s29+$0xFFFFFEF0] =	vst v20;
	v20 =	vmul.f32 v24, v19;
	v24 =	vld [tilespmem:s29+$0x10]  }
0x104: {  	[tilespmem:s29+$0xFFFFFF00] =	vst v14;
	v14 =	vmul.f32 v18, v19;
	v18 =	vld [tilespmem:s29+$0x20]  }
0x105: {  	[tilespmem:s29+$0xFFFFFF10] =	vst v21;
	v21 =	vmul.f32 v25, v19;
	v25 =	vld [tilespmem:s29+$0x30]  }
0x106: {  	[tilespmem:s29+$0xFFFFFF20] =	vst v13;
	v13 =	vmul.f32 v22, v19;
	v19 =	vld [tilespmem:s29+$0x40]  }
0x107: {  	[tilespmem:s29+$0xFFFFFF30] =	vst v12;
	v12 =	vmul.f32 v26, v28;
	v22 =	vld [tilespmem:s29+$0x50]  }
0x108: {  	[tilespmem:s29+$0xFFFFFF40] =	vst v15;
	v15 =	vmul.f32 v24, v28;
	v24 =	vld [tilespmem:s29+$0x60]  }
0x109: {  	[tilespmem:s29+$0xFFFFFF50] =	vst v23;
	v18 =	vmul.f32 v18, v28;
	v23 =	vld [tilespmem:s29+$0x70]  }
0x10a: {  	[tilespmem:s29+$0xFFFFFF70] =	vst v10;
	v10 =	vmul.f32 v25, v28;
	v25 =	vld [tilespmem:s29+$0x90]  }
0x10b: {  	[tilespmem:s29+$0xFFFFFF80] =	vst v11;
	v11 =	vmul.f32 v19, v28;
	v19 =	vld [tilespmem:s29+$0xA0]  }
0x10c: {  	[tilespmem:s29+$0xFFFFFF90] =	vst v16;
	v16 =	vmul.f32 v22, v28;
	v22 =	vld [tilespmem:s29+$0xB0]  }
0x10d: {  	[tilespmem:s29+$0xFFFFFFA0] =	vst v17;
	v17 =	vmul.f32 v24, v28;
	v24 =	vld [tilespmem:s29+$0xC0]  }
0x10e: {  	[tilespmem:s29+$0xFFFFFFB0] =	vst v20;
	v20 =	vmul.f32 v23, v28;
	v23 =	vld [tilespmem:s29+$0xD0]  }
0x10f: {  	[tilespmem:s29+$0xFFFFFFC0] =	vst v14;
	v14 =	vmul.f32 v25, v30;
	v25 =	vld [tilespmem:s29+$0xE0]  }
0x110: {  	[tilespmem:s29+$0xFFFFFFD0] =	vst v21;
	v19 =	vmul.f32 v19, v30;
	v21 =	vld [tilespmem:s29+$0xF0]  }
0x111: {  	[tilespmem:s29+$0xFFFFFFE0] =	vst v13;
	v22 =	vmul.f32 v22, v30;
	v13 =	vld [tilespmem:s29+$0x100]  }
0x112: {  	[tilespmem:s29+$0x0] =	vst v12;
	v24 =	vmul.f32 v24, v30;
	v12 =	vld [tilespmem:s29+$0x120]  }
0x113: {  	[tilespmem:s29+$0x10] =	vst v15;
	v23 =	vmul.f32 v23, v30;
	v15 =	vld [tilespmem:s29+$0x130]  }
0x114: {  	[tilespmem:s29+$0x20] =	vst v18;
	v18 =	vmul.f32 v25, v30;
	v25 =	vld [tilespmem:s29+$0x140]  }
0x115: {  	[tilespmem:s29+$0x30] =	vst v10;
	v26 =	vmul.f32 v21, v30;
	v21 =	vld [tilespmem:s29+$0x150]  }
0x116: {  	[tilespmem:s29+$0x40] =	vst v11;
	v11 =	vmul.f32 v13, v30;
	v27 =	vld [tilespmem:s29+$0x160]  }
0x117: {  	[tilespmem:s29+$0x50] =	vst v16;
	v12 =	vmul.f32 v12, v9;
	v16 =	vld [tilespmem:s29+$0x170]  }
0x118: {  	[tilespmem:s29+$0x60] =	vst v17;
	v10 =	vmul.f32 v15, v9;
	v17 =	vld [tilespmem:s29+$0x180]  }
0x119: {  	[tilespmem:s29+$0x70] =	vst v20;
	v13 =	vmul.f32 v25, v9;
	v25 =	vld [tilespmem:s29+$0x190]  }
0x11a: {  	[tilespmem:s29+$0x90] =	vst v14;
	v14 =	vmul.f32 v21, v9;
	v28 =	vld [tilespmem:s29+$0x1B0]  }
0x11b: {  	[tilespmem:s29+$0xA0] =	vst v19;
	v15 =	vmul.f32 v27, v9;
	v19 =	vld [tilespmem:s29+$0x1C0]  }
.Ltmp1:
0x11c: {  	[tilespmem:s29+$0xB0] =	vst v22;
	v16 =	vmul.f32 v16, v9;
	v20 =	vld [tilespmem:s29+$0x1D0];
	(pc) =	sbr.rel @p0 .LBB2_5-.Ltmp1, $4  }
0x11d: {  	[tilespmem:s29+$0xC0] =	vst v24;
	v17 =	vmul.f32 v17, v9;
	v21 =	vld [tilespmem:s29+$0x1E0]  }
0x11e: {  	[tilespmem:s29+$0xD0] =	vst v23;
	v9 =	vmul.f32 v25, v9;
	v22 =	vld [tilespmem:s29+$0x1F0]  }
0x11f: {  	[tilespmem:s29+$0xE0] =	vst v18;
	v18 =	vmul.f32 v28, v2;
	v23 =	vld [tilespmem:s29+$0x200]  }
0x120: {  	s29 =	sadd.s32 $0x480, s29;
	[tilespmem:s25+$0xF0] =	vst v26;
	v19 =	vmul.f32 v19, v2;
	v24 =	vld [tilespmem:s25+$0x210]  }
0x121: {  	[tilespmem:s25+$0x100] =	vst v11  }
0x122: {  	[tilespmem:s25+$0x120] =	vst v12  }
0x123: {  	[tilespmem:s25+$0x130] =	vst v10  }
0x124: {  	[tilespmem:s25+$0x140] =	vst v13  }
0x125: {  	[tilespmem:s25+$0x150] =	vst v14  }
0x126: {  	[tilespmem:s25+$0x160] =	vst v15  }
0x127: {  	[tilespmem:s25+$0x170] =	vst v16  }
0x128: {  	[tilespmem:s25+$0x180] =	vst v17  }
0x129: {  	[tilespmem:s25+$0x190] =	vst v9  }
0x12a: {  	[tilespmem:s25+$0x1B0] =	vst v18  }
0x12b: {  	[tilespmem:s25+$0xFFFFFE40] =	vst v4  }
0x12c: {  	[tilespmem:s25+$0xFFFFFF60] =	vst v3  }
0x12d: {  	[tilespmem:s25+$0xFFFFFFF0] =	vst v5  }
0x12e: {  	[tilespmem:s25+$0x80] =	vst v6  }
0x12f: {  	[tilespmem:s25+$0x110] =	vst v7  }
0x130: {  	v60 =	vmul.f32 v20, v2;
	[tilespmem:s25+$0x1A0] =	vst v8  }
0x131: {  	v61 =	vmul.f32 v21, v2;
	[tilespmem:s25+$0x1C0] =	vst v19  }
0x132: {  	v62 =	vmul.f32 v22, v2;
	[tilespmem:s25+$0x1D0] =	vst v60  }
0x133: {  	v63 =	vmul.f32 v23, v2;
	[tilespmem:s25+$0x1E0] =	vst v61  }
0x134: {  	s24 =	sadd.s32 $0x1, s24;
	v2 =	vmul.f32 v24, v2;
	[tilespmem:s25+$0x1F0] =	vst v62  }
0x135: {  	p0 =	sne.s32 s24, $0x52;
	[tilespmem:s25+$0x200] =	vst v63  }
.Ltmp2:
0x136: {  	[tilespmem:s25+$0x210] =	vst v2;
	(pc) =	sbr.rel @p0 .LBB2_4-.Ltmp2, $4  }
0x137: {  	[spmem:s13] =	stream.indirect.scatter.add.f32 [tilespmem:s19], [sflag:$0x3], $0x90, s14, s14, $0xb8;
	[tilespmem:$0x1DD00] =	vst v63  }
0x138: {  	_ =	swait.ge [sflag:s12], $0x4800  }
0x139: {  	[sflag:s12] =	ssyncset.done $0x0  }
0x13a: {  	[sflag:s12] =	ssyncadd.s32 $0xFFFFB800  }
0x13b: {  	s24 =	stileid.u32  }
0x13c: {  	[bflag:$0x0] =	sbarrier.arrive $0xFFFF;
	s24 =	sshll.u32 s24, $0x6  }
0x13d: {  	s25 =	rddreg [dreg:$0x4];
	s24 =	sor.u32 $0x1C03, s24  }
0x13e: {  	[hbm:s25], [sflag:s24] =	dma.local [spmem:s31], $0x480  }
0x13f: {  	_ =	swait.ge [sflag:s12], $0x480  }
0x140: {  	[sflag:s12] =	ssyncset.done $0x0  }
0x141: {  	s29 =	rddreg [dreg:$0x5];
	[sflag:s12] =	ssyncadd.s32 $0xFFFFFB80  }
0x142: {  	[hbm:s29], [sflag:s24] =	dma.local [spmem:s10], $0x480  }
0x143: {  	_ =	swait.ge [sflag:s12], $0x480  }
0x144: {  	[sflag:s12] =	ssyncset.done $0x0  }
0x145: {  	s26 =	rddreg [dreg:$0x6];
	[sflag:s12] =	ssyncadd.s32 $0xFFFFFB80  }
0x146: {  	[hbm:s26], [sflag:s24] =	dma.local [spmem:s0], $0x480  }
0x147: {  	_ =	swait.ge [sflag:s12], $0x480  }
0x148: {  	[sflag:s12] =	ssyncset.done $0x0  }
0x149: {  	s28 =	rddreg [dreg:$0x7];
	[sflag:s12] =	ssyncadd.s32 $0xFFFFFB80  }
0x14a: {  	[hbm:s28], [sflag:s24] =	dma.local [spmem:s2], $0x480  }
0x14b: {  	_ =	swait.ge [sflag:s12], $0x480  }
0x14c: {  	[sflag:s12] =	ssyncset.done $0x0  }
0x14d: {  	s29 =	rddreg [dreg:$0x8];
	[sflag:s12] =	ssyncadd.s32 $0xFFFFFB80  }
0x14e: {  	[hbm:s29], [sflag:s24] =	dma.local [spmem:s3], $0x480  }
0x14f: {  	_ =	swait.ge [sflag:s12], $0x480  }
0x150: {  	[sflag:s12] =	ssyncset.done $0x0  }
0x151: {  	s26 =	rddreg [dreg:$0x9];
	[sflag:s12] =	ssyncadd.s32 $0xFFFFFB80  }
0x152: {  	[hbm:s26], [sflag:s24] =	dma.local [spmem:s4], $0x480  }
0x153: {  	_ =	swait.ge [sflag:s12], $0x480  }
0x154: {  	[sflag:s12] =	ssyncset.done $0x0  }
0x155: {  	s28 =	rddreg [dreg:$0xa];
	[sflag:s12] =	ssyncadd.s32 $0xFFFFFB80  }
0x156: {  	[hbm:s28], [sflag:s24] =	dma.local [spmem:s5], $0x480  }
0x157: {  	_ =	swait.ge [sflag:s12], $0x480  }
0x158: {  	[sflag:s12] =	ssyncset.done $0x0  }
0x159: {  	s29 =	rddreg [dreg:$0xb];
	[sflag:s12] =	ssyncadd.s32 $0xFFFFFB80  }
0x15a: {  	[hbm:s29], [sflag:s24] =	dma.local [spmem:s6], $0x480  }
0x15b: {  	_ =	swait.ge [sflag:s12], $0x480  }
0x15c: {  	[sflag:s12] =	ssyncset.done $0x0  }
0x15d: {  	s26 =	rddreg [dreg:$0xc];
	[sflag:s12] =	ssyncadd.s32 $0xFFFFFB80  }
0x15e: {  	[hbm:s26], [sflag:s24] =	dma.local [spmem:s7], $0x480  }
0x15f: {  	_ =	swait.ge [sflag:s12], $0x480  }
0x160: {  	[sflag:s12] =	ssyncset.done $0x0  }
0x161: {  	s28 =	rddreg [dreg:$0xd];
	[sflag:s12] =	ssyncadd.s32 $0xFFFFFB80  }
0x162: {  	[hbm:s28], [sflag:s24] =	dma.local [spmem:s8], $0x480  }
0x163: {  	_ =	swait.ge [sflag:s12], $0x480  }
0x164: {  	s23 =	sadd.s32 $0x1, s23;
	s29 =	rddreg [dreg:$0xe]  }
0x165: {  	p0 =	sne.s32 s23, s29  }
.Ltmp3:
0x166: {  	_ = 	snop;
	(pc) =	sbr.rel @p0 .LBB2_1-.Ltmp3, $3  }
0x167: {  	_ =	sdelay $0x1  }
0x168: {  	[sflag:s12] =	ssyncset.done $0x0  }
0x169: {  	[sflag:s12] =	ssyncadd.s32 $0xFFFFFB80  }
0x16a: {  	_ =	sfence.sel $0x180000  }
0x16b: {  	[bflag:$0x0] =	sbarrier.arrive $0xFFFF  }
0x16c: {  	_ =	strace $0x9000004A  }
0x16d: {  	s0 =	stileid.u32;
	[bflag:$0x2] =	sbarrier.arrive $0xFFFF  }
0x16e: {  	p0 =	sne.s32 s0, $0x0;
	s0 =	rddreg [dreg:$0x3]  }
0x16f: {  	s0 =	sadd.s32 @!p0 $0x100000, s0  }
0x170: {  	[sflag:s0] =	ssyncadd.tile.s32 @!p0 $0x1;
	_ =	shalt  }
.Lfunc_end2:
_tile_overlayer_lowered:
.L_overlay_start_2:
0x171: {  	(tag) =	ssettag $0x2  }
0x172: {  	s0 =	rddreg [dreg:$0x0];
	s2 =	stileid.u32  }
0x173: {  	s1 =	rddreg [dreg:$0x1];
	p0 =	sne.s32 s2, $0x0  }
0x174: {  	s3 =	rddreg [dreg:$0x2];
	[bflag:$0x3] =	sbarrier.arrive $0xFFFF;
	s2 =	simm.s32 @!p0 $0x1C03  }
0x175: {  	[timem:s3], [sflag:s2] =	dma.local @!p0 [hbm:s0], s1  }
0x176: {  	s0 =	simm.s32 @!p0 $0x3  }
0x177: {  	_ =	swait.ge @!p0 [sflag:s0], s1  }
0x178: {  	s1 =	ssub.s32 @!p0 $0x0, s1;
	[sflag:s0] =	ssyncset.done @!p0 $0x0  }
0x179: {  	[sflag:s0] =	ssyncadd.s32 @!p0 s1  }
0x17a: {  	[bflag:$0x3] =	sbarrier.arrive $0xFFFF  }
0x17b: {  	_ =	shalt  }

// kernel: kernel.7.cloned.1.call-start
scs
__scs_entry_jumppad:
0x0: {  	(pc) =	sbr.rel $0x88, $3  }
0x1: {  	(tag) =	ssettag $0x0;
	lr =	simm.s32 $0x1  }
0x2: {  	[smem:$0x3F95] =	sst lr;
	_ =	strace $0xD0000000  }
0x3: {  	_ = 	snop  }
0x4: {  	_ = 	snop  }
0x5: {  	_ = 	snop  }
0x6: {  	_ = 	snop  }
0x7: {  	_ = 	snop  }
__scs_overlays_trampoline_lowered:
0x8: {  	[smem:$0x3FA4] =	sst s0  }
0x9: {  	[smem:$0x3FA5] =	sst s1  }
0xa: {  	[smem:$0x3FA6] =	sst s2  }
0xb: {  	[smem:$0x3FA7] =	sst s3  }
0xc: {  	[smem:$0x3FA8] =	sst s4  }
0xd: {  	[smem:$0x3FA9] =	sst s5  }
0xe: {  	[smem:$0x3FAA] =	sst s6  }
0xf: {  	[smem:$0x3FAB] =	sst s7  }
0x10: {  	[smem:$0x3FAC] =	sst s8  }
0x11: {  	[smem:$0x3FAD] =	sst s9;
	s0 =	simm.s32 @!p0 $0x0  }
0x12: {  	s1 =	sld [smem:$0x3F93];
	s0 =	simm.s32 @p0 $0x1  }
0x13: {  	[smem:$0x3FAE] =	sst s0;
	s0 =	simm.s32 @!p1 $0x0  }
0x14: {  	s2 =	sld [smem:$0x3F92];
	s0 =	simm.s32 @p1 $0x1  }
0x15: {  	[smem:$0x3FAF] =	sst s0;
	s0 =	simm.s32 @!p2 $0x0  }
0x16: {  	s3 =	sld [smem:$0x3FDB];
	s0 =	simm.s32 @p2 $0x1  }
0x17: {  	s4 =	simm.s32 $0x1BF5;
	[smem:$0x3FB1] =	sst s0  }
0x18: {  	s0 =	sld [smem:$0x3F94];
	_ =	swait.ge [sflag:s4], $0x0  }
0x19: {  	s7 =	sld [smem:$0x3F95]  }
0x1a: {  	s8 =	sadd.s32 $0xFFFFE003, lr  }
0x1b: {  	s9 =	sadd.s32 $0xFFFFFEF7, lr;
	s5 =	simm.s32 $0xFFFFFFFF;
	p2 =	slt.u32 s8, $0xFFFFF086  }
0x1c: {  	p1 =	slt.u32 s9, $0xF7A;
	s5 =	simm.s32 @!p2 $0x0  }
0x1d: {  	s5 =	simm.s32 @p1 $0x1;
	p0 =	seq.s32 s7, s2  }
0x1e: {  	s7 =	smul.u32 @!p0 $0xF7A, s2;
	p2 =	seq.s32 @!p0 s5, $0x0  }
0x1f: {  	s9 =	smul.u32 $0xF7A, s1;
	s8 =	simm.s32 @!p0 $0x1BF5;
	p2 =	por !p2, p0  }
0x20: {  	[sflag:s8] =	ssyncset.s32 @!p0 $0xFFFFF086;
	s6 =	sadd.s32 @!p0 s3, s7;
	s7 =	simm.s32 @!p0 $0x108  }
0x21: {  	s3 =	sadd.s32 s3, s9;
	s6 =	sadd.s32 @!p0 $0x88, s6;
	s7 =	simm.s32 @p2 $0x1082  }
0x22: {  	[simem:s7], [sflag:s8] =	dma.local @!p0 [hbm:s6], $0xF7A  }
0x23: {  	s9 =	sor.u32 $0xD0000000, s2;
	s6 =	simm.s32 $0x108;
	_ =	swait.ge @!p0 [sflag:s8], $0x0  }
0x24: {  	s3 =	sadd.s32 $0x88, s3;
	s6 =	simm.s32 @!p1 $0x1082;
	[sflag:s4] =	ssyncset.s32 $0xFFFFF086  }
0x25: {  	[simem:s6], [sflag:s4] =	dma.local [hbm:s3], $0xF7A  }
0x26: {  	[smem:$0x3F95] =	sst s1;
	(tag) =	ssettag s2;
	_ =	strace s9  }
0x27: {  	s1 =	sld [smem:$0x3FA5]  }
0x28: {  	s2 =	sld [smem:$0x3FA6]  }
0x29: {  	s4 =	sld [smem:$0x3FA8]  }
0x2a: {  	p0 =	seq.s32 s5, $0x0;
	s5 =	sld [smem:$0x3FA9]  }
0x2b: {  	s6 =	sld [smem:$0x3FAA]  }
0x2c: {  	s7 =	sld [smem:$0x3FAB]  }
0x2d: {  	s3 =	simm.s32 $0x108;
	s8 =	sld [smem:$0x3FAC]  }
0x2e: {  	s3 =	simm.s32 @!p0 $0x1082;
	s9 =	sld [smem:$0x3FAD]  }
0x2f: {  	lr =	sadd.s32 s0, s3;
	s0 =	sld [smem:$0x3FA4]  }
0x30: {  	s3 =	sld [smem:$0x3FA7]  }
0x31: {  	[smem:$0x3FB0] =	sst s10  }
0x32: {  	s10 =	sld [smem:$0x3FAE];
	_ =	sdelay $0x3  }
0x33: {  	p0 =	seq.s32 s10, $0x1;
	s10 =	sld [smem:$0x3FB0];
	_ =	sdelay $0x3  }
0x34: {  	[smem:$0x3FB0] =	sst s10  }
0x35: {  	s10 =	sld [smem:$0x3FAF];
	_ =	sdelay $0x3  }
0x36: {  	p1 =	seq.s32 s10, $0x1;
	s10 =	sld [smem:$0x3FB0];
	_ =	sdelay $0x3  }
0x37: {  	[smem:$0x3FB0] =	sst s10  }
0x38: {  	s10 =	sld [smem:$0x3FB1]  }
0x39: {  	_ = 	snop;
	(pc) =	sbr.ind lr, $3  }
0x3a: {  	_ = 	snop  }
0x3b: {  	_ = 	snop  }
0x3c: {  	p2 =	seq.s32 s10, $0x1;
	s10 =	sld [smem:$0x3FB0]  }
0x3d: {  	_ =	shalt  }
0x3e: {  	_ =	shalt  }
0x3f: {  	_ =	shalt  }
0x40: {  	_ =	shalt  }
0x41: {  	_ =	shalt  }
0x42: {  	_ =	shalt  }
0x43: {  	_ =	shalt  }
0x44: {  	_ =	shalt  }
0x45: {  	_ =	shalt  }
0x46: {  	_ =	shalt  }
0x47: {  	_ =	shalt  }
0x48: {  	_ =	shalt  }
0x49: {  	_ =	shalt  }
0x4a: {  	_ =	shalt  }
0x4b: {  	_ =	shalt  }
0x4c: {  	_ =	shalt  }
0x4d: {  	_ =	shalt  }
0x4e: {  	_ =	shalt  }
0x4f: {  	_ =	shalt  }
0x50: {  	_ =	shalt  }
0x51: {  	_ =	shalt  }
0x52: {  	_ =	shalt  }
0x53: {  	_ =	shalt  }
0x54: {  	_ =	shalt  }
0x55: {  	_ =	shalt  }
0x56: {  	_ =	shalt  }
0x57: {  	_ =	shalt  }
0x58: {  	_ =	shalt  }
0x59: {  	_ =	shalt  }
0x5a: {  	_ =	shalt  }
0x5b: {  	_ =	shalt  }
0x5c: {  	_ =	shalt  }
0x5d: {  	_ =	shalt  }
0x5e: {  	_ =	shalt  }
0x5f: {  	_ =	shalt  }
0x60: {  	_ =	shalt  }
0x61: {  	_ =	shalt  }
0x62: {  	_ =	shalt  }
0x63: {  	_ =	shalt  }
0x64: {  	_ =	shalt  }
0x65: {  	_ =	shalt  }
0x66: {  	_ =	shalt  }
0x67: {  	_ =	shalt  }
0x68: {  	_ =	shalt  }
0x69: {  	_ =	shalt  }
0x6a: {  	_ =	shalt  }
0x6b: {  	_ =	shalt  }
0x6c: {  	_ =	shalt  }
0x6d: {  	_ =	shalt  }
0x6e: {  	_ =	shalt  }
0x6f: {  	_ =	shalt  }
0x70: {  	_ =	shalt  }
0x71: {  	_ =	shalt  }
0x72: {  	_ =	shalt  }
0x73: {  	_ =	shalt  }
0x74: {  	_ =	shalt  }
0x75: {  	_ =	shalt  }
0x76: {  	_ =	shalt  }
0x77: {  	_ =	shalt  }
0x78: {  	_ =	shalt  }
0x79: {  	_ =	shalt  }
0x7a: {  	_ =	shalt  }
0x7b: {  	_ =	shalt  }
0x7c: {  	_ =	shalt  }
0x7d: {  	_ =	shalt  }
0x7e: {  	_ =	shalt  }
0x7f: {  	_ =	shalt  }
0x80: {  	_ =	shalt  }
0x81: {  	_ =	shalt  }
0x82: {  	_ =	shalt  }
0x83: {  	_ =	shalt  }
0x84: {  	_ =	shalt  }
0x85: {  	_ =	shalt  }
0x86: {  	_ =	shalt  }
0x87: {  	_ =	shalt  }
.Lfunc_end0:
.L_simem_size_0:
called_computation_lowered:
.L_overlay_start_0:
0x88: {  	s2 =	sld [smem:$0x3FD9]  }
0x89: {  	s3 =	sld [smem:$0x3FFE];
	_ =	sdelay $0x1  }
0x8a: {  	s1 =	srdreg.scid  }
0x8b: {  	s0 =	sand.u32 $0x1, s1  }
0x8c: {  	s17 =	sshll.u32 s0, $0xA;
	s2 =	sadd.s32 s3, s2  }
0x8d: {  	s2 =	sadd.s32 s2, s17  }
0x8e: {  	[smem:$0x3FBC] =	sst s2  }
0x8f: {  	_ = 	snop  }
0x90: {  	s2 =	sld [smem:$0x3FD0];
	(tm) =	ssettm $0x1  }
0x91: {  	s18 =	sld [smem:$0x3FFB];
	_ =	sdelay $0x3  }
0x92: {  	_ =	strace s18  }
0x93: {  	s3 =	sld [smem:$0x3FFC];
	_ =	sdelay $0x3  }
0x94: {  	_ =	strace s3  }
0x95: {  	s3 =	sld [smem:$0x3FFD];
	_ =	sdelay $0x3  }
0x96: {  	_ =	strace s3  }
0x97: {  	_ =	strace $0x8FFFFFFF  }
0x98: {  	s19 =	sld [smem:$0x3FDB];
	_ =	sdelay $0x1  }
0x99: {  	s4 =	simm.s32 $_scs_section_size  }
0x9a: {  	s5 =	simm.s32 $_size__tile_overlayer_lowered;
	s6 =	simm.s32 $_tile_overlayer_lowered  }
0x9b: {  	s22 =	simm.s32 $0x1BFF;
	s21 =	sshll.u32 s6, $0x1;
	s3 =	sadd.s32 s4, s19  }
0x9c: {  	s7 =	simm.s32 $0x0;
	s20 =	sshll.u32 s5, $0x1;
	s5 =	sadd.s32 s21, s3  }
0x9d: {  	[timem:s7], [sflag:s22] =	dma.local [hbm:s5], s20  }
0x9e: {  	_ =	swait.ge [sflag:s22], s20  }
0x9f: {  	s4 =	ssub.s32 $0x0, s20;
	[sflag:s22] =	ssyncset.done $0x0  }
0xa0: {  	[sflag:s22] =	ssyncadd.s32 s4;
	_ =	sdelay $0x1  }
0xa1: {  	s23 =	simm.s32 $0x1B8B  }
0xa2: {  	_ =	swait.ge [sflag:s23], $0x1  }
0xa3: {  	[sflag:s23] =	ssyncset.done $0x0  }
0xa4: {  	s25 =	simm.s32 $0x1B8E;
	s24 =	sld [smem:$0x3FFE];
	[sflag:s23] =	ssyncadd.s32 $0xFFFFFFFF  }
0xa5: {  	s26 =	simm.s32 $execute0_lowered;
	[smem:$0x3FD2] =	sst s25  }
0xa6: {  	s5 =	sshll.u32 s26, $0x1;
	_ =	strace $0x80000046;
	[dreg:$0x1] =	wrdreg $0xFFFFFFFF  }
0xa7: {  	s28 =	simm.s32 $_size_execute0_lowered;
	s3 =	sadd.s32 s3, s5;
	[dreg:$0x0] =	wrdreg $0x0  }
0xa8: {  	s5 =	sshll.u32 s28, $0x1;
	[dreg:$0x2] =	wrdreg s3  }
0xa9: {  	[dreg:$0x3] =	wrdreg s5  }
0xaa: {  	[dreg:$0x4] =	wrdreg $0xC0  }
0xab: {  	_ =	task [dreg:s7], $0x5FFFF  }
0xac: {  	[dreg:$0x1] =	wrdreg $0xFFFFFFFF  }
0xad: {  	[dreg:$0x0] =	wrdreg $0x60  }
0xae: {  	[dreg:$0x2] =	wrdreg s24  }
0xaf: {  	[dreg:$0x3] =	wrdreg s2  }
0xb0: {  	[dreg:$0x4] =	wrdreg $0x75000  }
0xb1: {  	[dreg:$0x5] =	wrdreg $0x9  }
0xb2: {  	_ =	task.clear_ibuf [dreg:s7], $0x6FFFF;
	_ =	strace $0x90000046  }
0xb3: {  	s29 =	simm.s32 $0x9;
	_ =	strace $0x80000048  }
0xb4: {  	_ =	swait.ge [sflag:s29], $0x1  }
0xb5: {  	[sflag:s29] =	ssyncadd.s32 $0xFFFFFFFF  }
0xb6: {  	_ =	strace $0x90000048  }
0xb7: {  	_ =	sfence  }
0xb8: {  	s30 =	sld [smem:$0x0];
	_ =	sdelay $0x2  }
0xb9: {  	s31 =	sshll.u32 s1, $0xD;
	s1 =	sshrl.u32 s1, $0x2  }
0xba: {  	s3 =	sand.u32 $0x4000, s31;
	s1 =	sadd.s32 s1, s30  }
0xbb: {  	s0 =	sor.u32 s3, s0;
	s1 =	sshll.u32 s1, $0x11  }
0xbc: {  	s0 =	sor.u32 s1, s0  }
0xbd: {  	s0 =	sadd.s32 $0x8F2B, s0  }
0xbe: {  	[sflag:s0] =	ssyncadd.remote.s32 $0x1  }
0xbf: {  	_ =	sfence.sel $0xFFFF  }
0xc0: {  	[dreg:$0x0] =	wrdreg $0xFFFFFFFF;
	(pc) =	sbr.abs _section_cstart, $3  }
0xc1: {  	[dreg:$0x1] =	wrdreg $0xFFFFFFFF  }
0xc2: {  	_ =	task.clear_ibuf [dreg:s7], $0x2FFFF;
	_ =	strace $0x9FFFFFFF  }
0xc3: {  	(tm) =	ssettm $0x7FFFFFFF  }
tec
execute0_lowered:
.L_overlay_start_1:
0x0: {  	(tag) =	ssettag $0x1  }
0x1: {  	s7 =	rddreg [dreg:$0x0];
	s17 =	stileid.u32  }
0x2: {  	s0 =	srdreg.scid;
	s1 =	simm.s32 $0x0;
	s3 =	smul.u32 $0x280, s17  }
0x3: {  	s4 =	sand.u32 $0x1, s0;
	s0 =	smul.u32 $0x16800, s17;
	s29 =	sshll.u32 s17, $0x1  }
0x4: {  	s2 =	ssub.s32 $0x2, s4;
	s9 =	smul.u32 $0x168000, s4;
	s15 =	sor.u32 s4, s29  }
0x5: {  	s5 =	sshrl.u32 s2, $0x1;
	s10 =	sor.u32 $0x40, s3;
	s15 =	smul.u32 $0x52, s15  }
0x6: {  	s19 =	sadd.s32 $0x80, s3;
	s14 =	ssub.s32 s2, s5;
	s2 =	smul.u32 $0x90, s10  }
0x7: {  	[smem:$0x7FF] =	sst s1;
	s3 =	smul.u32 $0x90, s19  }
0x8: {  	s12 =	sadd.s32 $0x88A00, s7;
	s6 =	sadd.s32 s9, s0;
	s26 =	smul.u32 $0x240, s10  }
0x9: {  	s5 =	sadd.s32 $0x9000, s0;
	s29 =	smul.u32 $0x240, s19;
	s8 =	sadd.s32 s9, s2  }
0xa: {  	s6 =	sshrl.u32 s6, $0x3;
	s20 =	sadd.s32 s9, s5;
	s8 =	sshrl.u32 s8, $0x3  }
0xb: {  	s28 =	smax.u32 s14, $0x1;
	s6 =	sadd.s32 s12, s6;
	s4 =	sadd.s32 s12, s8  }
0xc: {  	s11 =	sadd.s32 s9, s3;
	[dreg:$0x5] =	wrdreg s4;
	s4 =	sadd.s32 $0x6C00, s0  }
0xd: {  	[dreg:$0x4] =	wrdreg s6;
	s13 =	sshrl.u32 s11, $0x3;
	s16 =	sadd.s32 s9, s4  }
0xe: {  	s6 =	sadd.s32 s12, s13;
	s8 =	sshrl.u32 s20, $0x3;
	s18 =	sshrl.u32 s16, $0x3  }
0xf: {  	s20 =	sadd.s32 $0xFC00, s0;
	[dreg:$0x6] =	wrdreg s6;
	s6 =	sadd.s32 s12, s18  }
0x10: {  	s8 =	sadd.s32 s12, s8;
	[dreg:$0x7] =	wrdreg s6;
	s6 =	sadd.s32 $0xB400, s0  }
0x11: {  	[dreg:$0x8] =	wrdreg s8;
	s8 =	sadd.s32 $0xD800, s0;
	s11 =	sadd.s32 s9, s6  }
0x12: {  	s22 =	sadd.s32 s9, s20;
	s13 =	sadd.s32 s9, s8;
	s11 =	sshrl.u32 s11, $0x3  }
0x13: {  	s23 =	sshrl.u32 s22, $0x3;
	s21 =	sshrl.u32 s13, $0x3;
	s11 =	sadd.s32 s12, s11  }
0x14: {  	[dreg:$0x9] =	wrdreg s11;
	s11 =	sadd.s32 s12, s21;
	s21 =	sadd.s32 $0x12000, s0  }
0x15: {  	[dreg:$0xa] =	wrdreg s11;
	s11 =	sadd.s32 s12, s23;
	s24 =	sadd.s32 s9, s21  }
0x16: {  	s22 =	sadd.s32 $0x14400, s0;
	[dreg:$0xb] =	wrdreg s11;
	s25 =	sshrl.u32 s24, $0x3  }
0x17: {  	s9 =	sadd.s32 s9, s22;
	s11 =	rddreg [dreg:$0x1];
	s13 =	sadd.s32 s12, s25  }
0x18: {  	s16 =	sadd.s32 $0x5BA00, s7;
	s9 =	sshrl.u32 s9, $0x3;
	[dreg:$0xc] =	wrdreg s13  }
0x19: {  	s18 =	sadd.s32 $0x1600, s7;
	s9 =	sadd.s32 s12, s9;
	s13 =	rddreg [dreg:$0x2]  }
0x1a: {  	s23 =	sshrl.u32 s29, $0x2;
	[dreg:$0xd] =	wrdreg s9;
	s9 =	smul.u32 $0x5A000, s17  }
0x1b: {  	s17 =	sadd.s32 $0xBA00, s7;
	s7 =	sshrl.u32 s26, $0x2;
	_ =	strace $0x80000047  }
0x1c: {  	[dreg:$0xe] =	wrdreg s28;
	s7 =	sadd.s32 s7, s13;
	s0 =	sadd.s32 s0, s13  }
0x1d: {  	s2 =	sadd.s32 s2, s13;
	s3 =	sadd.s32 s3, s13;
	s4 =	sadd.s32 s4, s13  }
0x1e: {  	s5 =	sadd.s32 s5, s13;
	s6 =	sadd.s32 s6, s13;
	s14 =	sshrl.u32 s9, $0x2  }
0x1f: {  	s19 =	sadd.s32 $0x1B000, s9;
	[dreg:$0x10] =	wrdreg s7;
	s7 =	sadd.s32 s23, s13  }
0x20: {  	s26 =	sadd.s32 $0x24000, s9;
	s28 =	sadd.s32 $0x2D000, s9;
	s29 =	sadd.s32 $0x36000, s9  }
0x21: {  	s23 =	sadd.s32 $0x48000, s9;
	s31 =	sshrl.u32 s0, $0x3;
	s0 =	sshrl.u32 s3, $0x3  }
0x22: {  	s3 =	sshrl.u32 s5, $0x3;
	s12 =	sadd.s32 s14, s13;
	s24 =	sshrl.u32 s19, $0x2  }
0x23: {  	[dreg:$0x11] =	wrdreg s7;
	s7 =	sshrl.u32 s26, $0x2;
	s10 =	sshrl.u32 s28, $0x2  }
0x24: {  	s19 =	sadd.s32 $0x3F000, s9;
	s9 =	sadd.s32 $0x51000, s9;
	s26 =	sadd.s32 s20, s13  }
0x25: {  	s28 =	sadd.s32 s21, s13;
	s20 =	simm.s32 $0x4900;
	s21 =	simm.s32 $0x1  }
0x26: {  	[dreg:$0xf] =	wrdreg s12;
	s25 =	sadd.s32 s24, s13;
	s7 =	sadd.s32 s7, s13  }
0x27: {  	s12 =	sshrl.u32 s29, $0x2;
	s24 =	sshrl.u32 s23, $0x2;
	s9 =	sshrl.u32 s9, $0x2  }
0x28: {  	s29 =	sadd.s32 s22, s13;
	s22 =	simm.s32 $0x2;
	[dreg:$0x12] =	wrdreg s25  }
0x29: {  	s23 =	simm.s32 $0x0;
	[dreg:$0x13] =	wrdreg s7;
	s7 =	sadd.s32 s10, s13  }
0x2a: {  	s14 =	sadd.s32 s12, s13;
	s30 =	sadd.s32 s9, s13;
	s25 =	sadd.s32 s8, s13  }
0x2b: {  	s10 =	sshrl.u32 s2, $0x3;
	s2 =	sshrl.u32 s4, $0x3;
	s4 =	sshrl.u32 s6, $0x3  }
0x2c: {  	s6 =	sshrl.u32 s26, $0x3;
	s8 =	sshrl.u32 s29, $0x3;
	s9 =	simm.s32 $0x5100  }
0x2d: {  	s12 =	simm.s32 $0x3;
	[dreg:$0x14] =	wrdreg s7;
	s7 =	sshrl.u32 s19, $0x2  }
0x2e: {  	[dreg:$0x15] =	wrdreg s14;
	s5 =	sshrl.u32 s25, $0x3;
	s7 =	sadd.s32 s7, s13  }
0x2f: {  	v0 =	vimm.f32 $0.0e+00;
	vm0 =	vmmov $0xf;
	v1 =	vimm.s32 $0x0;
	s14 =	simm.s32 $0x80;
	[dreg:$0x16] =	wrdreg s7;
	s7 =	sadd.s32 s24, s13  }
0x30: {  	v2 =	vimm.s32 $0x1;
	v3 =	vimm.s32 $0x2;
	v4 =	vimm.s32 $0x3;
	s19 =	simm.s32 $0x100;
	[dreg:$0x17] =	wrdreg s7;
	s7 =	sshrl.u32 s28, $0x3  }
.LBB2_1:
0x31: {  	s24 =	simm.s32 $0x0;
	s25 =	simm.s32 $0x240  }
.LBB2_2:
0x32: {  	p0 =	sne.s32 s25, $0x8DC0;
	[tilespmem:s24+$0x5180] =	vst v0  }
0x33: {  	[tilespmem:s24+$0x5100] =	vst v0  }
0x34: {  	[tilespmem:s24+$0x5110] =	vst v0  }
0x35: {  	[tilespmem:s24+$0x5120] =	vst v0  }
.Ltmp0:
0x36: {  	[tilespmem:s24+$0x5130] =	vst v0;
	(pc) =	sbr.rel @p0 .LBB2_2-.Ltmp0, $4  }
0x37: {  	[tilespmem:s24+$0x5140] =	vst v0  }
0x38: {  	[tilespmem:s24+$0x5150] =	vst v0  }
0x39: {  	[tilespmem:s24+$0x5160] =	vst v0  }
0x3a: {  	[tilespmem:s24+$0x5170] =	vst v0;
	s24 =	sshra.s32 s25, $0x2;
	s25 =	sadd.s32 $0x240, s25  }
0x3b: {  	[tilespmem:s24+$0x5180] =	vst v0  }
0x3c: {  	[tilespmem:s24+$0x5100] =	vst v0  }
0x3d: {  	[tilespmem:s24+$0x5110] =	vst v0  }
0x3e: {  	[tilespmem:s24+$0x5120] =	vst v0  }
0x3f: {  	[tilespmem:s24+$0x5130] =	vst v0  }
0x40: {  	[tilespmem:s24+$0x5140] =	vst v0  }
0x41: {  	[tilespmem:s24+$0x5150] =	vst v0  }
0x42: {  	[tilespmem:s24+$0x5160] =	vst v0  }
0x43: {  	[tilespmem:s24+$0x5170] =	vst v0;
	s29 =	rddreg [dreg:$0xf]  }
0x44: {  	[spmem:s29] =	stream.linear.scatter [tilespmem:s9], [sflag:$0x3], $0x2400, $0x38;
	[tilespmem:$0x1DD00] =	vst v63  }
0x45: {  	_ =	swait.ge [sflag:s12], $0x2400  }
0x46: {  	[sflag:s12] =	ssyncset.done $0x0  }
0x47: {  	s25 =	rddreg [dreg:$0x10];
	[sflag:s12] =	ssyncadd.s32 $0xFFFFDC00  }
0x48: {  	[spmem:s25] =	stream.linear.scatter [tilespmem:s9], [sflag:$0x3], $0x2400, $0x38;
	[tilespmem:$0x1DD00] =	vst v63  }
0x49: {  	_ =	swait.ge [sflag:s12], $0x2400  }
0x4a: {  	[sflag:s12] =	ssyncset.done $0x0  }
0x4b: {  	s26 =	rddreg [dreg:$0x11];
	[sflag:s12] =	ssyncadd.s32 $0xFFFFDC00  }
0x4c: {  	[spmem:s26] =	stream.linear.scatter [tilespmem:s9], [sflag:$0x3], $0x2400, $0x38;
	[tilespmem:$0x1DD00] =	vst v63  }
0x4d: {  	_ =	swait.ge [sflag:s12], $0x2400  }
0x4e: {  	[sflag:s12] =	ssyncset.done $0x0  }
0x4f: {  	s28 =	rddreg [dreg:$0x12];
	[sflag:s12] =	ssyncadd.s32 $0xFFFFDC00  }
0x50: {  	[spmem:s28] =	stream.linear.scatter [tilespmem:s9], [sflag:$0x3], $0x2400, $0x38;
	[tilespmem:$0x1DD00] =	vst v63  }
0x51: {  	_ =	swait.ge [sflag:s12], $0x2400  }
0x52: {  	[sflag:s12] =	ssyncset.done $0x0  }
0x53: {  	s29 =	rddreg [dreg:$0x13];
	[sflag:s12] =	ssyncadd.s32 $0xFFFFDC00  }
0x54: {  	[spmem:s29] =	stream.linear.scatter [tilespmem:s9], [sflag:$0x3], $0x2400, $0x38;
	[tilespmem:$0x1DD00] =	vst v63  }
0x55: {  	_ =	swait.ge [sflag:s12], $0x2400  }
0x56: {  	[sflag:s12] =	ssyncset.done $0x0  }
0x57: {  	s25 =	rddreg [dreg:$0x14];
	[sflag:s12] =	ssyncadd.s32 $0xFFFFDC00  }
0x58: {  	[spmem:s25] =	stream.linear.scatter [tilespmem:s9], [sflag:$0x3], $0x2400, $0x38;
	[tilespmem:$0x1DD00] =	vst v63  }
0x59: {  	_ =	swait.ge [sflag:s12], $0x2400  }
0x5a: {  	[sflag:s12] =	ssyncset.done $0x0  }
0x5b: {  	s26 =	rddreg [dreg:$0x15];
	[sflag:s12] =	ssyncadd.s32 $0xFFFFDC00  }
0x5c: {  	[spmem:s26] =	stream.linear.scatter [tilespmem:s9], [sflag:$0x3], $0x2400, $0x38;
	[tilespmem:$0x1DD00] =	vst v63  }
0x5d: {  	_ =	swait.ge [sflag:s12], $0x2400  }
0x5e: {  	[sflag:s12] =	ssyncset.done $0x0  }
0x5f: {  	s28 =	rddreg [dreg:$0x16];
	[sflag:s12] =	ssyncadd.s32 $0xFFFFDC00  }
0x60: {  	[spmem:s28] =	stream.linear.scatter [tilespmem:s9], [sflag:$0x3], $0x2400, $0x38;
	[tilespmem:$0x1DD00] =	vst v63  }
0x61: {  	_ =	swait.ge [sflag:s12], $0x2400  }
0x62: {  	[sflag:s12] =	ssyncset.done $0x0  }
0x63: {  	s29 =	rddreg [dreg:$0x17];
	[sflag:s12] =	ssyncadd.s32 $0xFFFFDC00  }
0x64: {  	[spmem:s29] =	stream.linear.scatter [tilespmem:s9], [sflag:$0x3], $0x2400, $0x38;
	[tilespmem:$0x1DD00] =	vst v63  }
0x65: {  	_ =	swait.ge [sflag:s12], $0x2400  }
0x66: {  	[sflag:s12] =	ssyncset.done $0x0  }
0x67: {  	[sflag:s12] =	ssyncadd.s32 $0xFFFFDC00  }
0x68: {  	[spmem:s30] =	stream.linear.scatter [tilespmem:s9], [sflag:$0x3], $0x2400, $0x38;
	[tilespmem:$0x1DD00] =	vst v63  }
0x69: {  	_ =	swait.ge [sflag:s12], $0x2400  }
0x6a: {  	[sflag:s12] =	ssyncset.done $0x0  }
0x6b: {  	[sflag:s12] =	ssyncadd.s32 $0xFFFFDC00  }
0x6c: {  	s24 =	simm.s32 $0x0;
	[bflag:$0x0] =	sbarrier.arrive $0xFFFF  }
.LBB2_4:
0x6d: {  	s25 =	sadd.s32 s15, s24  }
0x6e: {  	s25 =	sshll.u32 s25, $0x4  }
0x6f: {  	s26 =	sadd.s32 s11, s25  }
0x70: {  	[tilespmem:s1], [sflag:$0x3] =	stream.linear.gather [hbm4b:s26+s1], $0x80, $0x38;
	[tilespmem:$0x1DD00] =	vst v63  }
0x71: {  	_ =	swait.ge [sflag:s12], $0x80  }
0x72: {  	[sflag:s12] =	ssyncset.done $0x0  }
0x73: {  	s25 =	sadd.s32 s18, s25;
	[sflag:s12] =	ssyncadd.s32 $0xFFFFFF80  }
0x74: {  	[tilespmem:s14], [sflag:$0x3] =	stream.linear.gather [hbm4b:s25+s1], $0x80, $0x38;
	[tilespmem:$0x1DD00] =	vst v63  }
0x75: {  	_ =	swait.ge [sflag:s12], $0x80  }
0x76: {  	[sflag:s12] =	ssyncset.done $0x0  }
0x77: {  	[sflag:s12] =	ssyncadd.s32 $0xFFFFFF80  }
0x78: {  	[tilespmem:s19], [sflag:$0x1] =	stream.indirect.gather [hbm4b:s16+s14], $0x90, s1, s14, $0xb8;
	[tilespmem:$0x1DD00] =	vst v63  }
0x79: {  	_ = 	snop  }
0x7a: {  	[tilespmem:s20], [sflag:$0x2] =	stream.indirect.gather [hbm4b:s17+s14], $0x10, s14, s14, $0xb8;
	[tilespmem:$0x1DD00] =	vst v63  }
0x7b: {  	_ =	swait.ge [sflag:s21], $0x4800  }
0x7c: {  	[sflag:s21] =	ssyncset.done $0x0  }
0x7d: {  	[sflag:s21] =	ssyncadd.s32 $0xFFFFB800  }
0x7e: {  	_ =	swait.ge [sflag:s22], $0x800  }
0x7f: {  	[sflag:s22] =	ssyncset.done $0x0  }
0x80: {  	s25 =	simm.s32 $0x340;
	[sflag:s22] =	ssyncadd.s32 $0xFFFFF800  }
0x81: {  	s26 =	simm.s32 $0x4940;
	v5 =	vld [tilespmem:s25+$0x230]  }
0x82: {  	v6 =	vld [tilespmem:s26+$0x30]  }
0x83: {  	v7 =	vld [tilespmem:s26+$0xFFFFFFC0]  }
0x84: {  	v8 =	vld [tilespmem:s25+$0xFFFFFED0]  }
0x85: {  	v9 =	vld [tilespmem:s26+$0xFFFFFFD0]  }
0x86: {  	v10 =	vld [tilespmem:s25+$0xFFFFFF60]  }
0x87: {  	v11 =	vld [tilespmem:s26+$0xFFFFFFE0]  }
0x88: {  	v12 =	vld [tilespmem:s25+$0xFFFFFFF0]  }
0x89: {  	v15 =	vld [tilespmem:s26+$0xFFFFFFF0]  }
0x8a: {  	v16 =	vld [tilespmem:s26+$0x0]  }
0x8b: {  	v17 =	vld [tilespmem:s25+$0x110]  }
0x8c: {  	v18 =	vld [tilespmem:s26+$0x10]  }
0x8d: {  	v19 =	vld [tilespmem:s25+$0x1A0]  }
0x8e: {  	v20 =	vld [tilespmem:s26+$0x20];
	v5 =	vadd.f32 v6, v5  }
0x8f: {  	v21 =	vld [tilespmem:s25+$0xFFFFFE40];
	v8 =	vadd.f32 v9, v8  }
0x90: {  	v22 =	vld [tilespmem:s25+$0xFFFFFDC0];
	v9 =	vmul.f32 $2.000000030e-01, v5  }
0x91: {  	v14 =	vld [tilespmem:s25+$0xFFFFFDD0];
	vm1 =	vgt.f32 v5, $0.0e+00;
	v13 =	vmul.f32 $2.000000030e-01, v8  }
0x92: {  	v6 =	vld [tilespmem:s25+$0x80];
	v5 =	vsel vm1, v5, v9;
	vm1 =	vgt.f32 v8, $0.0e+00  }
0x93: {  	v23 =	vld [tilespmem:s25+$0xFFFFFE50];
	v5 =	vmul.f32 $1.442695020e+00, v5;
	v8 =	vsel vm1, v8, v13  }
0x94: {  	v25 =	vld [tilespmem:s25+$0xFFFFFE60];
	v8 =	vmul.f32 $1.442695020e+00, v8  }
0x95: {  	v27 =	vld [tilespmem:s25+$0xFFFFFE30];
	v17 =	vadd.f32 v18, v17;
	(erf) = vpow2.f32 v5  }
0x96: {  	v29 =	vld [tilespmem:s25+$0xFFFFFE90];
	v7 =	vadd.f32 v7, v21;
	v5 =	vadd.f32 v11, v10;
	(erf) = vpow2.f32 v8  }
0x97: {  	v30 =	vld [tilespmem:s25+$0xFFFFFEE0];
	v6 =	vadd.f32 v16, v6;
	v8 =	vadd.f32 v15, v12  }
0x98: {  	v32 =	vld [tilespmem:s25+$0xFFFFFEF0];
	v19 =	vadd.f32 v20, v19;
	v26 =	vmul.f32 $2.000000030e-01, v7;
	v12 =	vmul.f32 $2.000000030e-01, v5  }
0x99: {  	v34 =	vld [tilespmem:s25+$0xFFFFFF10];
	v18 =	vmul.f32 $2.000000030e-01, v6;
	vm1 =	vgt.f32 v5, $0.0e+00;
	v16 =	vmul.f32 $2.000000030e-01, v8  }
0x9a: {  	v35 =	vld [tilespmem:s25+$0xFFFFFF40];
	vm2 =	vgt.f32 v8, $0.0e+00;
	v5 =	vsel vm1, v5, v12;
	vm1 =	vgt.f32 v6, $0.0e+00  }
0x9b: {  	v63 =	vld [tilespmem:s25+$0xFFFFFFB0];
	v5 =	vmul.f32 $1.442695020e+00, v5;
	v8 =	vsel vm2, v8, v16;
	v16 =	vmul.f32 $2.000000030e-01, v17  }
0x9c: {  	v49 =	vld [tilespmem:s25+$0xFFFFFFD0];
	vm2 =	vgt.f32 v17, $0.0e+00;
	v6 =	vsel vm1, v6, v18;
	v8 =	vmul.f32 $1.442695020e+00, v8  }
0x9d: {  	v51 =	vld [tilespmem:s25+$0xFFFFFFE0];
	v28 =	vmul.f32 $1.442695020e+00, v6;
	v16 =	vsel vm2, v17, v16;
	vm2 =	vgt.f32 v7, $0.0e+00  }
0x9e: {  	v60 =	vld [tilespmem:s25+$0x0];
	v6 =	vsel vm2, v7, v26;
	v16 =	vmul.f32 $1.442695020e+00, v16;
	v24 =	vpop (erf);
	(erf) = vpow2.f32 v5  }
0x9f: {  	v15 =	vld [tilespmem:s25+$0x220];
	v6 =	vmul.f32 $1.442695020e+00, v6;
	v21 =	vpop (erf);
	v24 =	vnsel vm0, $0x0, v24;
	(erf) = vpow2.f32 v8  }
0xa0: {  	v20 =	vld [tilespmem:s25+$0xFFFFFE70];
	v17 =	vnsel vm0, $0x0, v21;
	v21 =	vmul.f32 $2.000000030e-01, v19;
	v5 =	vperm.xlane v24, v4  }
0xa1: {  	v18 =	vld [tilespmem:s25+$0xFFFFFE80];
	(erf) = vpow2.f32 v6;
	v8 =	vperm.xlane v24, v1  }
0xa2: {  	v57 =	vld [tilespmem:s25+$0x130];
	v6 =	vperm.xlane v24, v2;
	v31 =	vperm.xlane v17, v1  }
0xa3: {  	v59 =	vld [tilespmem:s25+$0x140];
	vm1 =	vgt.f32 v19, $0.0e+00;
	(erf) = vpow2.f32 v28;
	v33 =	vperm.xlane v17, v2  }
0xa4: {  	v26 =	vld [tilespmem:s25+$0xFFFFFEA0];
	[tilespmem:s25+$0x230] =	vst v24;
	v7 =	vsel vm1, v19, v21;
	v15 =	vmul.f32 v15, v5;
	(erf) = vpow2.f32 v16  }
0xa5: {  	[tilespmem:s25+$0xFFFFFED0] =	vst v17;
	v19 =	vld [tilespmem:s25+$0xFFFFFEB0];
	v7 =	vmul.f32 $1.442695020e+00, v7;
	v23 =	vmul.f32 v23, v31  }
0xa6: {  	v21 =	vld [tilespmem:s25+$0xFFFFFEC0];
	v20 =	vmul.f32 v20, v33;
	v18 =	vmul.f32 v18, v33;
	[tilespmem:s25+$0x220] =	vst v15  }
0xa7: {  	v9 =	vld [tilespmem:s25+$0xFFFFFE00];
	v15 =	vmul.f32 v25, v31;
	v31 =	vperm.xlane v17, v3;
	[tilespmem:s25+$0xFFFFFE50] =	vst v23  }
0xa8: {  	v13 =	vld [tilespmem:s25+$0xFFFFFDE0];
	v17 =	vperm.xlane v17, v4;
	(erf) = vpow2.f32 v7;
	[tilespmem:s25+$0xFFFFFE70] =	vst v20  }
0xa9: {  	v10 =	vld [tilespmem:s25+$0xFFFFFDF0];
	v7 =	vperm.xlane v24, v3;
	[tilespmem:s25+$0xFFFFFE80] =	vst v18;
	v24 =	vmul.f32 v29, v31  }
0xaa: {  	v11 =	vld [tilespmem:s25+$0xFFFFFE10];
	[tilespmem:s25+$0xFFFFFE60] =	vst v15;
	v26 =	vmul.f32 v26, v31;
	v23 =	vpop (erf)  }
0xab: {  	v28 =	vld [tilespmem:s25+$0xFFFFFF00];
	v19 =	vmul.f32 v19, v17;
	v17 =	vmul.f32 v21, v17;
	v23 =	vnsel vm0, $0x0, v23;
	[tilespmem:s25+$0xFFFFFE90] =	vst v24  }
0xac: {  	v16 =	vld [tilespmem:s25+$0xFFFFFF20];
	v15 =	vpop (erf);
	[tilespmem:s25+$0xFFFFFEA0] =	vst v26;
	v31 =	vperm.xlane v23, v1;
	v62 =	vperm.xlane v23, v2  }
0xad: {  	v25 =	vld [tilespmem:s25+$0xFFFFFF30];
	v15 =	vnsel vm0, $0x0, v15;
	v37 =	vperm.xlane v23, v3;
	v38 =	vperm.xlane v23, v4;
	[tilespmem:s25+$0xFFFFFF60] =	vst v23  }
0xae: {  	v29 =	vld [tilespmem:s25+$0xFFFFFF50];
	v36 =	vpop (erf);
	[tilespmem:s25+$0xFFFFFEB0] =	vst v19;
	v45 =	vperm.xlane v15, v1;
	v46 =	vperm.xlane v15, v2  }
0xaf: {  	v12 =	vld [tilespmem:s25+$0xFFFFFE20];
	[tilespmem:s25+$0xFFFFFFF0] =	vst v15;
	v36 =	vnsel vm0, $0x0, v36;
	v48 =	vperm.xlane v15, v3;
	v15 =	vperm.xlane v15, v4  }
0xb0: {  	v20 =	vld [tilespmem:s25+$0xFFFFFF70];
	[tilespmem:s25+$0xFFFFFEC0] =	vst v17;
	v41 =	vpop (erf);
	v39 =	vperm.xlane v36, v1;
	v40 =	vperm.xlane v36, v2  }
0xb1: {  	v18 =	vld [tilespmem:s25+$0xFFFFFF80];
	v42 =	vperm.xlane v36, v3;
	v43 =	vperm.xlane v36, v4;
	[tilespmem:s25+$0xFFFFFE40] =	vst v36;
	v41 =	vnsel vm0, $0x0, v41;
	v44 =	vpop (erf)  }
0xb2: {  	v33 =	vld [tilespmem:s25+$0xE0];
	v28 =	vmul.f32 v28, v62;
	v16 =	vmul.f32 v16, v37;
	v44 =	vnsel vm0, $0x0, v44;
	[tilespmem:s25+$0x80] =	vst v41  }
0xb3: {  	v21 =	vld [tilespmem:s25+$0x90];
	v25 =	vmul.f32 v25, v37;
	v29 =	vmul.f32 v29, v38;
	[tilespmem:s25+$0x110] =	vst v44  }
0xb4: {  	v24 =	vld [tilespmem:s25+$0xFFFFFF90];
	v50 =	vperm.xlane v41, v1;
	v52 =	vperm.xlane v41, v2;
	[tilespmem:s25+$0xFFFFFF00] =	vst v28  }
0xb5: {  	v26 =	vld [tilespmem:s25+$0xFFFFFFA0];
	v53 =	vperm.xlane v41, v3;
	v41 =	vperm.xlane v41, v4;
	[tilespmem:s25+$0xFFFFFF20] =	vst v16  }
0xb6: {  	v23 =	vld [tilespmem:s25+$0xFFFFFFC0];
	v20 =	vmul.f32 v20, v45;
	v18 =	vmul.f32 v18, v45;
	[tilespmem:s25+$0xFFFFFF30] =	vst v25  }
0xb7: {  	v19 =	vld [tilespmem:s25+$0xA0];
	v36 =	vmul.f32 v63, v48;
	v63 =	vmul.f32 v49, v15;
	[tilespmem:s25+$0xFFFFFF50] =	vst v29  }
0xb8: {  	v17 =	vld [tilespmem:s25+$0xB0];
	v22 =	vmul.f32 v22, v39;
	v14 =	vmul.f32 v14, v39;
	[tilespmem:s25+$0xFFFFFF70] =	vst v20  }
0xb9: {  	v13 =	vmul.f32 v13, v40;
	v10 =	vmul.f32 v10, v40;
	v16 =	vld [tilespmem:s25+$0x100];
	[tilespmem:s25+$0xFFFFFF80] =	vst v18  }
0xba: {  	v61 =	vperm.xlane v44, v1;
	v9 =	vmul.f32 v9, v42;
	v25 =	vld [tilespmem:s25+$0x120];
	[tilespmem:s25+$0xFFFFFFD0] =	vst v63  }
0xbb: {  	v54 =	vperm.xlane v44, v2;
	v11 =	vmul.f32 v11, v42;
	v18 =	vld [tilespmem:s25+$0x160];
	[tilespmem:s25+$0xFFFFFDC0] =	vst v22  }
0xbc: {  	v42 =	vperm.xlane v44, v3;
	v12 =	vmul.f32 v12, v43;
	v63 =	vld [tilespmem:s25+$0x1C0];
	[tilespmem:s25+$0xFFFFFDD0] =	vst v14  }
0xbd: {  	v44 =	vperm.xlane v44, v4;
	v27 =	vmul.f32 v27, v43;
	v22 =	vld [tilespmem:s25+$0x10];
	[tilespmem:s25+$0xFFFFFDE0] =	vst v13  }
0xbe: {  	v26 =	vmul.f32 v26, v46;
	v23 =	vmul.f32 v23, v48;
	v14 =	vld [tilespmem:s25+$0x20];
	[tilespmem:s25+$0xFFFFFDF0] =	vst v10  }
0xbf: {  	v39 =	vmul.f32 v60, v50;
	v13 =	vld [tilespmem:s25+$0x30];
	[tilespmem:s25+$0xFFFFFE30] =	vst v27;
	v27 =	vmul.f32 v30, v31  }
0xc0: {  	v10 =	vld [tilespmem:s25+$0x40];
	[tilespmem:s25+$0xFFFFFE00] =	vst v9;
	v30 =	vmul.f32 v32, v31;
	v31 =	vmul.f32 v34, v62  }
0xc1: {  	v47 =	vpop (erf);
	v9 =	vld [tilespmem:s25+$0x50];
	[tilespmem:s25+$0xFFFFFE10] =	vst v11;
	v62 =	vmul.f32 v24, v46;
	v29 =	vmul.f32 v21, v61  }
0xc2: {  	v47 =	vnsel vm0, $0x0, v47;
	v11 =	vld [tilespmem:s25+$0x60];
	v20 =	vmul.f32 v19, v61;
	[tilespmem:s25+$0xFFFFFFA0] =	vst v26;
	v26 =	vmul.f32 v17, v54  }
0xc3: {  	[tilespmem:s25+$0xFFFFFE20] =	vst v12;
	v12 =	vld [tilespmem:s25+$0x70];
	v43 =	vperm.xlane v47, v1;
	v55 =	vperm.xlane v47, v2  }
0xc4: {  	v32 =	vld [tilespmem:s25+$0xD0];
	[tilespmem:s25+$0x1A0] =	vst v47;
	v56 =	vperm.xlane v47, v3;
	v47 =	vperm.xlane v47, v4  }
0xc5: {  	v34 =	vld [tilespmem:s25+$0xF0];
	[tilespmem:s25+$0xFFFFFEF0] =	vst v30;
	v30 =	vmul.f32 v35, v38;
	v38 =	vmul.f32 v51, v15  }
0xc6: {  	v61 =	vld [tilespmem:s25+$0x190];
	[tilespmem:s25+$0xFFFFFFC0] =	vst v23;
	v15 =	vmul.f32 v16, v44;
	v23 =	vmul.f32 v25, v43  }
0xc7: {  	[tilespmem:s25+$0xFFFFFEE0] =	vst v27;
	v27 =	vld [tilespmem:s25+$0xC0];
	v16 =	vmul.f32 v57, v43;
	v19 =	vmul.f32 v59, v55  }
0xc8: {  	[tilespmem:s25+$0xFFFFFF90] =	vst v62;
	v62 =	vld [tilespmem:s25+$0x1B0];
	v18 =	vmul.f32 v18, v56;
	v58 =	vmul.f32 v22, v50  }
0xc9: {  	[tilespmem:s25+$0xFFFFFF10] =	vst v31;
	v14 =	vmul.f32 v14, v52;
	v60 =	vmul.f32 v13, v52;
	v13 =	vld [tilespmem:s25+$0x150]  }
0xca: {  	[tilespmem:s25+$0xFFFFFF40] =	vst v30;
	v31 =	vmul.f32 v10, v53;
	v30 =	vmul.f32 v11, v41;
	v11 =	vld [tilespmem:s25+$0x170]  }
0xcb: {  	[tilespmem:s25+$0xFFFFFFB0] =	vst v36;
	v28 =	vmul.f32 v9, v53;
	v24 =	vmul.f32 v12, v41;
	v12 =	vld [tilespmem:s25+$0x180]  }
0xcc: {  	[tilespmem:s25+$0x0] =	vst v39;
	v25 =	vld [tilespmem:s25+$0x1D0];
	v10 =	vmul.f32 v33, v42;
	v22 =	vmul.f32 v34, v44  }
0xcd: {  	[tilespmem:s25+$0xFFFFFFE0] =	vst v38;
	v21 =	vmul.f32 v27, v54;
	v27 =	vmul.f32 v32, v42;
	v32 =	vld [tilespmem:s25+$0x1E0]  }
0xce: {  	v17 =	vld [tilespmem:s25+$0x1F0];
	[tilespmem:s25+$0x20] =	vst v14;
	v14 =	vmul.f32 v62, v8;
	v8 =	vmul.f32 v63, v8  }
0xcf: {  	v33 =	vld [tilespmem:s25+$0x200];
	[tilespmem:s25+$0x10] =	vst v58;
	v9 =	vmul.f32 v13, v55;
	v11 =	vmul.f32 v11, v56  }
0xd0: {  	s28 =	simm.s32 $0x0;
	s29 =	simm.s32 $0x7C0;
	v34 =	vld [tilespmem:s25+$0x210];
	[tilespmem:s25+$0x30] =	vst v60;
	v12 =	vmul.f32 v12, v47;
	v13 =	vmul.f32 v61, v47  }
.LBB2_5:
0xd1: {  	v35 =	vld [tilespmem:s29+$0x230];
	[tilespmem:s25+$0x40] =	vst v31;
	v25 =	vmul.f32 v25, v6;
	s26 =	sadd.s32 $0x80, s26  }
0xd2: {  	s28 =	sadd.s32 $0x8, s28;
	v31 =	vld [tilespmem:s26+$0x30];
	[tilespmem:s25+$0x50] =	vst v28;
	v6 =	vmul.f32 v32, v6  }
0xd3: {  	p0 =	slt.u32 s28, $0x78;
	v28 =	vld [tilespmem:s26+$0xFFFFFFC0];
	[tilespmem:s25+$0x60] =	vst v30;
	v17 =	vmul.f32 v17, v7  }
0xd4: {  	v30 =	vld [tilespmem:s29+$0xFFFFFED0];
	[tilespmem:s25+$0x70] =	vst v24;
	v7 =	vmul.f32 v33, v7  }
0xd5: {  	v24 =	vld [tilespmem:s26+$0xFFFFFFD0];
	[tilespmem:s25+$0x90] =	vst v29;
	v29 =	vmul.f32 v34, v5  }
0xd6: {  	v5 =	vld [tilespmem:s29+$0xFFFFFF60];
	[tilespmem:s25+$0xA0] =	vst v20  }
0xd7: {  	v20 =	vld [tilespmem:s26+$0xFFFFFFE0];
	v31 =	vadd.f32 v31, v35;
	[tilespmem:s25+$0xB0] =	vst v26  }
0xd8: {  	v26 =	vld [tilespmem:s29+$0xFFFFFFF0];
	[tilespmem:s25+$0xC0] =	vst v21  }
0xd9: {  	v21 =	vld [tilespmem:s26+$0xFFFFFFF0];
	v32 =	vmul.f32 $2.000000030e-01, v31;
	[tilespmem:s25+$0xD0] =	vst v27  }
0xda: {  	vm1 =	vgt.f32 v31, $0.0e+00;
	v24 =	vadd.f32 v24, v30;
	v27 =	vld [tilespmem:s29+$0x80];
	[tilespmem:s25+$0xE0] =	vst v10  }
0xdb: {  	v10 =	vld [tilespmem:s26+$0x0];
	v30 =	vsel vm1, v31, v32;
	[tilespmem:s25+$0xF0] =	vst v22  }
0xdc: {  	v22 =	vmul.f32 $2.000000030e-01, v24;
	v5 =	vadd.f32 v20, v5;
	v20 =	vld [tilespmem:s29+$0x110];
	v30 =	vmul.f32 $1.442695020e+00, v30;
	[tilespmem:s25+$0x100] =	vst v15  }
0xdd: {  	vm1 =	vgt.f32 v24, $0.0e+00;
	v15 =	vld [tilespmem:s26+$0x10];
	[tilespmem:s25+$0x120] =	vst v23  }
0xde: {  	v23 =	vmul.f32 $2.000000030e-01, v5;
	v21 =	vadd.f32 v21, v26;
	v26 =	vld [tilespmem:s29+$0x1A0];
	(erf) = vpow2.f32 v30;
	[tilespmem:s25+$0x130] =	vst v16  }
0xdf: {  	v16 =	vsel vm1, v24, v22;
	vm1 =	vgt.f32 v5, $0.0e+00;
	v22 =	vld [tilespmem:s26+$0x20];
	[tilespmem:s25+$0x140] =	vst v19  }
0xe0: {  	v19 =	vld [tilespmem:s29+$0xFFFFFE40];
	vm2 =	vgt.f32 v21, $0.0e+00;
	v24 =	vmul.f32 $2.000000030e-01, v21;
	v27 =	vadd.f32 v10, v27;
	[tilespmem:s25+$0x150] =	vst v9  }
0xe1: {  	v16 =	vmul.f32 $1.442695020e+00, v16;
	v5 =	vsel vm1, v5, v23;
	v9 =	vld [tilespmem:s29+$0xFFFFFDC0];
	[tilespmem:s25+$0x160] =	vst v18  }
0xe2: {  	v10 =	vld [tilespmem:s29+$0xFFFFFDD0];
	vm1 =	vgt.f32 v27, $0.0e+00;
	v18 =	vmul.f32 $2.000000030e-01, v27;
	v15 =	vadd.f32 v15, v20;
	[tilespmem:s25+$0x170] =	vst v11  }
0xe3: {  	v20 =	vmul.f32 $1.442695020e+00, v5;
	v5 =	vsel vm2, v21, v24;
	v11 =	vld [tilespmem:s29+$0xFFFFFDE0];
	(erf) = vpow2.f32 v16;
	[tilespmem:s25+$0x180] =	vst v12  }
0xe4: {  	v12 =	vld [tilespmem:s29+$0xFFFFFDF0];
	vm2 =	vgt.f32 v15, $0.0e+00;
	v16 =	vmul.f32 $2.000000030e-01, v15;
	v21 =	vadd.f32 v22, v26;
	[tilespmem:s25+$0x190] =	vst v13  }
0xe5: {  	v22 =	vmul.f32 $1.442695020e+00, v5;
	v26 =	vsel vm1, v27, v18;
	v19 =	vadd.f32 v28, v19;
	v13 =	vld [tilespmem:s29+$0xFFFFFE00];
	[tilespmem:s25+$0x1B0] =	vst v14  }
0xe6: {  	v16 =	vsel vm2, v15, v16;
	vm1 =	vgt.f32 v21, $0.0e+00;
	v18 =	vmul.f32 $2.000000030e-01, v21;
	v23 =	vld [tilespmem:s29+$0x220];
	[tilespmem:s25+$0x1C0] =	vst v8  }
0xe7: {  	v24 =	vmul.f32 $1.442695020e+00, v26;
	vm2 =	vgt.f32 v19, $0.0e+00;
	v8 =	vmul.f32 $2.000000030e-01, v19;
	v14 =	vld [tilespmem:s29+$0xFFFFFE10];
	v5 =	vpop (erf);
	[tilespmem:s25+$0x1D0] =	vst v25  }
0xe8: {  	v25 =	vmul.f32 $1.442695020e+00, v16;
	v15 =	vld [tilespmem:s29+$0xFFFFFE20];
	v18 =	vsel vm1, v21, v18;
	v21 =	vnsel vm0, $0x0, v5;
	[tilespmem:s25+$0x1E0] =	vst v6  }
0xe9: {  	v6 =	vsel vm2, v19, v8;
	v16 =	vld [tilespmem:s29+$0xFFFFFE30];
	v18 =	vmul.f32 $1.442695020e+00, v18;
	v5 =	vperm.xlane v21, v4;
	[tilespmem:s25+$0x1F0] =	vst v17  }
0xea: {  	v26 =	vmul.f32 $1.442695020e+00, v6;
	v17 =	vld [tilespmem:s29+$0xFFFFFE50];
	(erf) = vpow2.f32 v20;
	[tilespmem:s25+$0x200] =	vst v7  }
0xeb: {  	v19 =	vld [tilespmem:s29+$0xFFFFFE60];
	v7 =	vmul.f32 v23, v5;
	(erf) = vpow2.f32 v22;
	[tilespmem:s25+$0x210] =	vst v29;
	s25 =	smov.u32 s29  }
0xec: {  	v8 =	vperm.xlane v21, v1;
	v20 =	vld [tilespmem:s29+$0xFFFFFE70];
	[tilespmem:s29+$0x230] =	vst v21;
	(erf) = vpow2.f32 v26;
	v6 =	vpop (erf)  }
0xed: {  	v22 =	vnsel vm0, $0x0, v6;
	v23 =	vld [tilespmem:s29+$0xFFFFFE80];
	v6 =	vperm.xlane v21, v2;
	[tilespmem:s29+$0x220] =	vst v7;
	(erf) = vpow2.f32 v24  }
0xee: {  	[tilespmem:s29+$0xFFFFFED0] =	vst v22;
	v24 =	vperm.xlane v22, v1;
	v26 =	vld [tilespmem:s29+$0xFFFFFE90];
	(erf) = vpow2.f32 v25  }
0xef: {  	v25 =	vperm.xlane v22, v2;
	v27 =	vld [tilespmem:s29+$0xFFFFFEA0];
	(erf) = vpow2.f32 v18  }
0xf0: {  	v18 =	vperm.xlane v22, v3;
	v22 =	vperm.xlane v22, v4;
	v28 =	vld [tilespmem:s29+$0xFFFFFEB0]  }
0xf1: {  	v7 =	vperm.xlane v21, v3;
	v17 =	vmul.f32 v17, v24;
	v29 =	vld [tilespmem:s29+$0xFFFFFEC0]  }
0xf2: {  	v19 =	vmul.f32 v19, v24;
	v20 =	vmul.f32 v20, v25;
	v21 =	vld [tilespmem:s29+$0xFFFFFEE0]  }
0xf3: {  	v35 =	vmul.f32 v23, v25;
	[tilespmem:s29+$0xFFFFFE50] =	vst v17;
	v23 =	vmul.f32 v26, v18;
	v24 =	vld [tilespmem:s29+$0xFFFFFEF0];
	v25 =	vpop (erf)  }
0xf4: {  	[tilespmem:s29+$0xFFFFFE60] =	vst v19;
	v18 =	vmul.f32 v27, v18;
	v19 =	vnsel vm0, $0x0, v25;
	v26 =	vld [tilespmem:s29+$0xFFFFFF00];
	v25 =	vpop (erf)  }
0xf5: {  	[tilespmem:s29+$0xFFFFFE70] =	vst v20;
	v20 =	vperm.xlane v19, v1;
	v27 =	vperm.xlane v19, v2;
	v30 =	vld [tilespmem:s29+$0xFFFFFF10];
	v25 =	vnsel vm0, $0x0, v25;
	v31 =	vpop (erf)  }
0xf6: {  	v32 =	vperm.xlane v19, v3;
	v34 =	vperm.xlane v19, v4;
	v31 =	vnsel vm0, $0x0, v31;
	[tilespmem:s29+$0xFFFFFE80] =	vst v35;
	v33 =	vld [tilespmem:s29+$0xFFFFFF20];
	v17 =	vpop (erf)  }
0xf7: {  	v35 =	vperm.xlane v31, v1;
	v36 =	vperm.xlane v31, v2;
	[tilespmem:s29+$0xFFFFFE90] =	vst v23;
	v23 =	vld [tilespmem:s29+$0xFFFFFF30];
	v17 =	vnsel vm0, $0x0, v17;
	v37 =	vpop (erf)  }
0xf8: {  	v38 =	vperm.xlane v31, v3;
	v39 =	vperm.xlane v31, v4;
	[tilespmem:s29+$0xFFFFFEA0] =	vst v18;
	v18 =	vld [tilespmem:s29+$0xFFFFFF40];
	v37 =	vnsel vm0, $0x0, v37;
	v40 =	vpop (erf)  }
0xf9: {  	v41 =	vperm.xlane v25, v1;
	v42 =	vperm.xlane v25, v2;
	[tilespmem:s29+$0xFFFFFE40] =	vst v31;
	v31 =	vld [tilespmem:s29+$0xFFFFFF50];
	v40 =	vnsel vm0, $0x0, v40  }
0xfa: {  	v43 =	vperm.xlane v25, v3;
	v44 =	vperm.xlane v25, v4;
	[tilespmem:s29+$0xFFFFFF60] =	vst v19;
	v19 =	vld [tilespmem:s29+$0xFFFFFF70]  }
0xfb: {  	v46 =	vperm.xlane v17, v1;
	v47 =	vperm.xlane v17, v2;
	[tilespmem:s29+$0xFFFFFFF0] =	vst v25;
	v45 =	vld [tilespmem:s29+$0xFFFFFF80]  }
0xfc: {  	v49 =	vperm.xlane v17, v3;
	v50 =	vperm.xlane v17, v4;
	v48 =	vld [tilespmem:s29+$0xFFFFFF90];
	[tilespmem:s29+$0x80] =	vst v17  }
0xfd: {  	v52 =	vperm.xlane v37, v1;
	v53 =	vperm.xlane v37, v2;
	v51 =	vld [tilespmem:s29+$0xFFFFFFA0];
	[tilespmem:s29+$0x110] =	vst v37  }
0xfe: {  	v55 =	vperm.xlane v37, v3;
	v37 =	vperm.xlane v37, v4;
	v54 =	vld [tilespmem:s29+$0xFFFFFFB0];
	[tilespmem:s29+$0x1A0] =	vst v40  }
0xff: {  	v57 =	vperm.xlane v40, v1;
	v58 =	vperm.xlane v40, v2;
	v56 =	vld [tilespmem:s29+$0xFFFFFFC0]  }
0x100: {  	v25 =	vperm.xlane v40, v3;
	v17 =	vperm.xlane v40, v4;
	v59 =	vld [tilespmem:s29+$0xFFFFFFD0]  }
0x101: {  	v9 =	vmul.f32 v9, v35;
	v10 =	vmul.f32 v10, v35;
	v35 =	vld [tilespmem:s29+$0xFFFFFFE0]  }
0x102: {  	v11 =	vmul.f32 v11, v36;
	v12 =	vmul.f32 v12, v36;
	v36 =	vld [tilespmem:s29+$0x0]  }
0x103: {  	[tilespmem:s29+$0xFFFFFDC0] =	vst v9;
	v9 =	vmul.f32 v13, v38;
	v13 =	vmul.f32 v14, v38;
	v14 =	vld [tilespmem:s29+$0x10]  }
0x104: {  	[tilespmem:s29+$0xFFFFFDD0] =	vst v10;
	v10 =	vmul.f32 v15, v39;
	v15 =	vmul.f32 v16, v39;
	v16 =	vld [tilespmem:s29+$0x20]  }
0x105: {  	[tilespmem:s29+$0xFFFFFDE0] =	vst v11;
	v11 =	vmul.f32 v28, v22;
	v22 =	vmul.f32 v29, v22;
	v28 =	vld [tilespmem:s29+$0x30]  }
0x106: {  	[tilespmem:s29+$0xFFFFFDF0] =	vst v12;
	v12 =	vmul.f32 v21, v20;
	v20 =	vmul.f32 v24, v20;
	v21 =	vld [tilespmem:s29+$0x40]  }
0x107: {  	v24 =	vmul.f32 v30, v27;
	[tilespmem:s29+$0xFFFFFE00] =	vst v9;
	v9 =	vmul.f32 v26, v27;
	v26 =	vld [tilespmem:s29+$0x50]  }
0x108: {  	v23 =	vmul.f32 v23, v32;
	[tilespmem:s29+$0xFFFFFE10] =	vst v13;
	v13 =	vmul.f32 v33, v32;
	v27 =	vld [tilespmem:s29+$0x60]  }
0x109: {  	[tilespmem:s29+$0xFFFFFE20] =	vst v10;
	v10 =	vmul.f32 v18, v34;
	v18 =	vmul.f32 v31, v34;
	v29 =	vld [tilespmem:s29+$0x70]  }
0x10a: {  	[tilespmem:s29+$0xFFFFFE30] =	vst v15;
	v15 =	vmul.f32 v19, v41;
	v19 =	vmul.f32 v45, v41;
	v32 =	vld [tilespmem:s29+$0x90]  }
0x10b: {  	v33 =	vmul.f32 v51, v42;
	[tilespmem:s29+$0xFFFFFEB0] =	vst v11;
	v11 =	vmul.f32 v48, v42;
	v34 =	vld [tilespmem:s29+$0xA0]  }
0x10c: {  	v38 =	vmul.f32 v54, v43;
	v39 =	vmul.f32 v56, v43;
	[tilespmem:s29+$0xFFFFFEC0] =	vst v22;
	v22 =	vld [tilespmem:s29+$0xB0]  }
0x10d: {  	v35 =	vmul.f32 v35, v44;
	[tilespmem:s29+$0xFFFFFEE0] =	vst v12;
	v12 =	vmul.f32 v59, v44;
	v40 =	vld [tilespmem:s29+$0xC0]  }
0x10e: {  	v36 =	vmul.f32 v36, v46;
	v14 =	vmul.f32 v14, v46;
	[tilespmem:s29+$0xFFFFFEF0] =	vst v20;
	v41 =	vld [tilespmem:s29+$0xD0]  }
0x10f: {  	v43 =	vmul.f32 v28, v47;
	v42 =	vmul.f32 v16, v47;
	[tilespmem:s29+$0xFFFFFF00] =	vst v9;
	v9 =	vld [tilespmem:s29+$0xE0]  }
0x110: {  	v31 =	vmul.f32 v21, v49;
	v28 =	vmul.f32 v26, v49;
	[tilespmem:s29+$0xFFFFFF10] =	vst v24;
	v16 =	vld [tilespmem:s29+$0xF0]  }
0x111: {  	v30 =	vmul.f32 v27, v50;
	v24 =	vmul.f32 v29, v50;
	[tilespmem:s29+$0xFFFFFF20] =	vst v13;
	v13 =	vld [tilespmem:s29+$0x100]  }
0x112: {  	v29 =	vmul.f32 v32, v52;
	v20 =	vmul.f32 v34, v52;
	[tilespmem:s29+$0xFFFFFF30] =	vst v23;
	v23 =	vld [tilespmem:s29+$0x120]  }
0x113: {  	v26 =	vmul.f32 v22, v53;
	v21 =	vmul.f32 v40, v53;
	[tilespmem:s29+$0xFFFFFF40] =	vst v10;
	v32 =	vld [tilespmem:s29+$0x130]  }
0x114: {  	v27 =	vmul.f32 v41, v55;
	[tilespmem:s29+$0xFFFFFF50] =	vst v18;
	v10 =	vmul.f32 v9, v55;
	v9 =	vld [tilespmem:s29+$0x140]  }
0x115: {  	[tilespmem:s29+$0xFFFFFF70] =	vst v15;
	v22 =	vmul.f32 v16, v37;
	v18 =	vld [tilespmem:s29+$0x150]  }
0x116: {  	[tilespmem:s29+$0xFFFFFF80] =	vst v19;
	v15 =	vmul.f32 v13, v37;
	v13 =	vld [tilespmem:s29+$0x160]  }
0x117: {  	[tilespmem:s29+$0xFFFFFF90] =	vst v11;
	v23 =	vmul.f32 v23, v57;
	v11 =	vld [tilespmem:s29+$0x170]  }
0x118: {  	[tilespmem:s29+$0xFFFFFFA0] =	vst v33;
	v16 =	vmul.f32 v32, v57;
	v32 =	vld [tilespmem:s29+$0x180]  }
0x119: {  	[tilespmem:s29+$0xFFFFFFB0] =	vst v38;
	v19 =	vmul.f32 v9, v58;
	v33 =	vld [tilespmem:s29+$0x190]  }
0x11a: {  	[tilespmem:s29+$0xFFFFFFC0] =	vst v39;
	v9 =	vmul.f32 v18, v58;
	v34 =	vld [tilespmem:s29+$0x1B0]  }
0x11b: {  	[tilespmem:s29+$0xFFFFFFD0] =	vst v12;
	v18 =	vmul.f32 v13, v25;
	v37 =	vld [tilespmem:s29+$0x1C0]  }
.Ltmp1:
0x11c: {  	[tilespmem:s29+$0xFFFFFFE0] =	vst v35;
	v11 =	vmul.f32 v11, v25;
	v25 =	vld [tilespmem:s29+$0x1D0];
	(pc) =	sbr.rel @p0 .LBB2_5-.Ltmp1, $4  }
0x11d: {  	[tilespmem:s29+$0x0] =	vst v36;
	v12 =	vmul.f32 v32, v17;
	v32 =	vld [tilespmem:s29+$0x1E0]  }
0x11e: {  	[tilespmem:s29+$0x10] =	vst v14;
	v13 =	vmul.f32 v33, v17;
	v17 =	vld [tilespmem:s29+$0x1F0]  }
0x11f: {  	[tilespmem:s29+$0x20] =	vst v42;
	v14 =	vmul.f32 v34, v8;
	v33 =	vld [tilespmem:s29+$0x200]  }
0x120: {  	s29 =	sadd.s32 $0x480, s29;
	[tilespmem:s25+$0x30] =	vst v43;
	v8 =	vmul.f32 v37, v8;
	v34 =	vld [tilespmem:s25+$0x210]  }
0x121: {  	[tilespmem:s25+$0x40] =	vst v31  }
0x122: {  	[tilespmem:s25+$0x50] =	vst v28  }
0x123: {  	[tilespmem:s25+$0x60] =	vst v30  }
0x124: {  	[tilespmem:s25+$0x70] =	vst v24  }
0x125: {  	[tilespmem:s25+$0x90] =	vst v29  }
0x126: {  	[tilespmem:s25+$0xA0] =	vst v20  }
0x127: {  	[tilespmem:s25+$0xB0] =	vst v26  }
0x128: {  	[tilespmem:s25+$0xC0] =	vst v21  }
0x129: {  	[tilespmem:s25+$0xD0] =	vst v27  }
0x12a: {  	[tilespmem:s25+$0xE0] =	vst v10  }
0x12b: {  	[tilespmem:s25+$0xF0] =	vst v22  }
0x12c: {  	[tilespmem:s25+$0x100] =	vst v15  }
0x12d: {  	[tilespmem:s25+$0x120] =	vst v23  }
0x12e: {  	[tilespmem:s25+$0x130] =	vst v16  }
0x12f: {  	[tilespmem:s25+$0x140] =	vst v19  }
0x130: {  	[tilespmem:s25+$0x150] =	vst v9  }
0x131: {  	[tilespmem:s25+$0x160] =	vst v18  }
0x132: {  	[tilespmem:s25+$0x170] =	vst v11  }
0x133: {  	[tilespmem:s25+$0x180] =	vst v12  }
0x134: {  	[tilespmem:s25+$0x190] =	vst v13  }
0x135: {  	v62 =	vmul.f32 v25, v6;
	[tilespmem:s25+$0x1B0] =	vst v14  }
0x136: {  	v6 =	vmul.f32 v32, v6;
	[tilespmem:s25+$0x1C0] =	vst v8  }
0x137: {  	v63 =	vmul.f32 v17, v7;
	[tilespmem:s25+$0x1D0] =	vst v62  }
0x138: {  	v7 =	vmul.f32 v33, v7;
	[tilespmem:s25+$0x1E0] =	vst v6  }
0x139: {  	s24 =	sadd.s32 $0x1, s24;
	v5 =	vmul.f32 v34, v5;
	[tilespmem:s25+$0x1F0] =	vst v63  }
0x13a: {  	p0 =	sne.s32 s24, $0x52;
	[tilespmem:s25+$0x200] =	vst v7  }
.Ltmp2:
0x13b: {  	[tilespmem:s25+$0x210] =	vst v5;
	(pc) =	sbr.rel @p0 .LBB2_4-.Ltmp2, $4  }
0x13c: {  	[spmem:s13] =	stream.indirect.scatter.add.f32 [tilespmem:s19], [sflag:$0x3], $0x90, s14, s14, $0xb8;
	[tilespmem:$0x1DD00] =	vst v63  }
0x13d: {  	_ =	swait.ge [sflag:s12], $0x4800  }
0x13e: {  	[sflag:s12] =	ssyncset.done $0x0  }
0x13f: {  	[sflag:s12] =	ssyncadd.s32 $0xFFFFB800  }
0x140: {  	s24 =	stileid.u32  }
0x141: {  	[bflag:$0x0] =	sbarrier.arrive $0xFFFF;
	s24 =	sshll.u32 s24, $0x6  }
0x142: {  	s25 =	rddreg [dreg:$0x4];
	s24 =	sor.u32 $0x1C03, s24  }
0x143: {  	[hbm:s25], [sflag:s24] =	dma.local [spmem:s31], $0x480  }
0x144: {  	_ =	swait.ge [sflag:s12], $0x480  }
0x145: {  	[sflag:s12] =	ssyncset.done $0x0  }
0x146: {  	s29 =	rddreg [dreg:$0x5];
	[sflag:s12] =	ssyncadd.s32 $0xFFFFFB80  }
0x147: {  	[hbm:s29], [sflag:s24] =	dma.local [spmem:s10], $0x480  }
0x148: {  	_ =	swait.ge [sflag:s12], $0x480  }
0x149: {  	[sflag:s12] =	ssyncset.done $0x0  }
0x14a: {  	s26 =	rddreg [dreg:$0x6];
	[sflag:s12] =	ssyncadd.s32 $0xFFFFFB80  }
0x14b: {  	[hbm:s26], [sflag:s24] =	dma.local [spmem:s0], $0x480  }
0x14c: {  	_ =	swait.ge [sflag:s12], $0x480  }
0x14d: {  	[sflag:s12] =	ssyncset.done $0x0  }
0x14e: {  	s28 =	rddreg [dreg:$0x7];
	[sflag:s12] =	ssyncadd.s32 $0xFFFFFB80  }
0x14f: {  	[hbm:s28], [sflag:s24] =	dma.local [spmem:s2], $0x480  }
0x150: {  	_ =	swait.ge [sflag:s12], $0x480  }
0x151: {  	[sflag:s12] =	ssyncset.done $0x0  }
0x152: {  	s29 =	rddreg [dreg:$0x8];
	[sflag:s12] =	ssyncadd.s32 $0xFFFFFB80  }
0x153: {  	[hbm:s29], [sflag:s24] =	dma.local [spmem:s3], $0x480  }
0x154: {  	_ =	swait.ge [sflag:s12], $0x480  }
0x155: {  	[sflag:s12] =	ssyncset.done $0x0  }
0x156: {  	s26 =	rddreg [dreg:$0x9];
	[sflag:s12] =	ssyncadd.s32 $0xFFFFFB80  }
0x157: {  	[hbm:s26], [sflag:s24] =	dma.local [spmem:s4], $0x480  }
0x158: {  	_ =	swait.ge [sflag:s12], $0x480  }
0x159: {  	[sflag:s12] =	ssyncset.done $0x0  }
0x15a: {  	s28 =	rddreg [dreg:$0xa];
	[sflag:s12] =	ssyncadd.s32 $0xFFFFFB80  }
0x15b: {  	[hbm:s28], [sflag:s24] =	dma.local [spmem:s5], $0x480  }
0x15c: {  	_ =	swait.ge [sflag:s12], $0x480  }
0x15d: {  	[sflag:s12] =	ssyncset.done $0x0  }
0x15e: {  	s29 =	rddreg [dreg:$0xb];
	[sflag:s12] =	ssyncadd.s32 $0xFFFFFB80  }
0x15f: {  	[hbm:s29], [sflag:s24] =	dma.local [spmem:s6], $0x480  }
0x160: {  	_ =	swait.ge [sflag:s12], $0x480  }
0x161: {  	[sflag:s12] =	ssyncset.done $0x0  }
0x162: {  	s26 =	rddreg [dreg:$0xc];
	[sflag:s12] =	ssyncadd.s32 $0xFFFFFB80  }
0x163: {  	[hbm:s26], [sflag:s24] =	dma.local [spmem:s7], $0x480  }
0x164: {  	_ =	swait.ge [sflag:s12], $0x480  }
0x165: {  	[sflag:s12] =	ssyncset.done $0x0  }
0x166: {  	s28 =	rddreg [dreg:$0xd];
	[sflag:s12] =	ssyncadd.s32 $0xFFFFFB80  }
0x167: {  	[hbm:s28], [sflag:s24] =	dma.local [spmem:s8], $0x480  }
0x168: {  	_ =	swait.ge [sflag:s12], $0x480  }
0x169: {  	s23 =	sadd.s32 $0x1, s23;
	s29 =	rddreg [dreg:$0xe]  }
0x16a: {  	p0 =	sne.s32 s23, s29  }
.Ltmp3:
0x16b: {  	_ = 	snop;
	(pc) =	sbr.rel @p0 .LBB2_1-.Ltmp3, $3  }
0x16c: {  	_ =	sdelay $0x1  }
0x16d: {  	[sflag:s12] =	ssyncset.done $0x0  }
0x16e: {  	[sflag:s12] =	ssyncadd.s32 $0xFFFFFB80  }
0x16f: {  	_ =	sfence.sel $0x180000  }
0x170: {  	[bflag:$0x0] =	sbarrier.arrive $0xFFFF  }
0x171: {  	_ =	strace $0x90000047  }
0x172: {  	s0 =	stileid.u32;
	[bflag:$0x2] =	sbarrier.arrive $0xFFFF  }
0x173: {  	p0 =	sne.s32 s0, $0x0;
	s0 =	rddreg [dreg:$0x3]  }
0x174: {  	s0 =	sadd.s32 @!p0 $0x100000, s0  }
0x175: {  	[sflag:s0] =	ssyncadd.tile.s32 @!p0 $0x1;
	_ =	shalt  }
.Lfunc_end2:
_tile_overlayer_lowered:
.L_overlay_start_2:
0x176: {  	(tag) =	ssettag $0x2  }
0x177: {  	s0 =	rddreg [dreg:$0x0];
	s2 =	stileid.u32  }
0x178: {  	s1 =	rddreg [dreg:$0x1];
	p0 =	sne.s32 s2, $0x0  }
0x179: {  	s3 =	rddreg [dreg:$0x2];
	[bflag:$0x3] =	sbarrier.arrive $0xFFFF;
	s2 =	simm.s32 @!p0 $0x1C03  }
0x17a: {  	[timem:s3], [sflag:s2] =	dma.local @!p0 [hbm:s0], s1  }
0x17b: {  	s0 =	simm.s32 @!p0 $0x3  }
0x17c: {  	_ =	swait.ge @!p0 [sflag:s0], s1  }
0x17d: {  	s1 =	ssub.s32 @!p0 $0x0, s1;
	[sflag:s0] =	ssyncset.done @!p0 $0x0  }
0x17e: {  	[sflag:s0] =	ssyncadd.s32 @!p0 s1  }
0x17f: {  	[bflag:$0x3] =	sbarrier.arrive $0xFFFF  }
0x180: {  	_ =	shalt  }

</sc_bundles>
